<compile_context>
chip_gen: v7x
topology: tpu7x:2x2x1
jax: 0.10.2.dev20260603
libtpu: 0.0.44.dev20260713+nightly
codegen_flags: <defaults>
</compile_context>

<pallas_src>
import functools

import jax
import jax.numpy as jnp
from jax import lax
from jax.experimental import pallas as pl
from jax.experimental.pallas import tpu as pltpu
from jax.experimental.pallas import tpu_sc as plsc

N = 10000
E = 320000
NT = 16
RPT = N // NT
K = 125
C = (E // NT) // K
C2 = (E // 2 // NT) // K
W = 64
BM = 2000
NB = N // BM


def _deg_kernel(idx, ones, zeros):
    mesh = plsc.VectorSubcoreMesh(core_axis_name="c", subcore_axis_name="s")

    @functools.partial(
        pl.kernel,
        out_type=jax.ShapeDtypeStruct((2, NT, RPT, 16), jnp.float32),
        mesh=mesh,
        compiler_params=pltpu.CompilerParams(use_tc_tiling_on_sc=False),
        scratch_types=[
            pltpu.VMEM((C2, K), jnp.int32),
            pltpu.VMEM((K, 16), jnp.float32),
            pltpu.SemaphoreType.DMA,
            pltpu.VMEM_SHARED((N, 16), jnp.float32),
        ],
    )
    def k(idx_hbm, ones_hbm, z_hbm, out_hbm, idx_v, ones_v, sem, acc_sm):
        c = lax.axis_index("c")
        s = lax.axis_index("s")
        pltpu.sync_copy(idx_hbm.at[c, s], idx_v)
        pltpu.sync_copy(ones_hbm, ones_v)
        pltpu.sync_copy(z_hbm.at[s], acc_sm.at[pl.ds(s * RPT, RPT)])
        plsc.subcore_barrier()

        def body(j, carry):
            pltpu.async_copy(ones_v, acc_sm.at[idx_v.at[j]], sem, add=True)
            return carry

        lax.fori_loop(0, C2, body, 0)

        def drain(j, carry):
            pltpu.make_async_copy(ones_v, acc_sm.at[idx_v.at[0]], sem).wait()
            return carry

        lax.fori_loop(0, C2, drain, 0)
        plsc.subcore_barrier()
        pltpu.sync_copy(acc_sm.at[pl.ds(s * RPT, RPT)], out_hbm.at[c, s])

    return k(idx, ones, zeros)


def _edge_scatter(NP, hq, isrcq, idst, zeros):
    mesh = plsc.VectorSubcoreMesh(core_axis_name="c", subcore_axis_name="s")

    @functools.partial(
        pl.kernel,
        out_type=jax.ShapeDtypeStruct((2, NP, NT, RPT, W), jnp.float32),
        mesh=mesh,
        compiler_params=pltpu.CompilerParams(use_tc_tiling_on_sc=False),
        scratch_types=[
            pltpu.VMEM((C, K), jnp.int32),
            pltpu.VMEM((C, K), jnp.int32),
            [pltpu.VMEM((K, W), jnp.float32)] * 4,
            [pltpu.SemaphoreType.DMA] * 4,
            [pltpu.SemaphoreType.DMA] * 4,
            pltpu.VMEM_SHARED((N, W), jnp.float32),
        ],
    )
    def k(h_hbm, isrc_hbm, idst_hbm, z_hbm, out_hbm,
          isrc_v, idst_v, rbufs, gsems, tsems, acc_sm):
        c = lax.axis_index("c")
        s = lax.axis_index("s")
        pltpu.sync_copy(idst_hbm.at[s], idst_v)

        def gather(j, p):
            pltpu.async_copy(h_hbm.at[isrc_v.at[j]], rbufs[p], gsems[p])

        def gather_wait(p):
            pltpu.make_async_copy(
                h_hbm.at[isrc_v.at[0]], rbufs[p], gsems[p]).wait()

        def scatter(j, p):
            pltpu.async_copy(rbufs[p], acc_sm.at[idst_v.at[j]], tsems[p],
                             add=True)

        def scatter_wait(p):
            pltpu.make_async_copy(rbufs[p], acc_sm.at[idst_v.at[0]],
                                  tsems[p]).wait()

        for q in range(NP):
            pltpu.sync_copy(isrc_hbm.at[c, q, s], isrc_v)
            pltpu.sync_copy(z_hbm.at[s], acc_sm.at[pl.ds(s * RPT, RPT)])
            gather(0, 0)
            gather(1, 1)
            plsc.subcore_barrier()
            for p in range(4):
                gather_wait(p)
                scatter(p, p)
                if p < 2:
                    gather(p + 2, p + 2)
                else:
                    scatter_wait(p - 2)
                    gather(p + 2, p - 2)

            def body(ii, carry):
                j0 = 4 * ii
                for p in range(4):
                    j = j0 + p
                    gather_wait(p)
                    scatter(j, p)
                    qn = (p + 2) % 4

                    @pl.when(j + 2 < C)
                    def _():
                        scatter_wait(qn)
                        gather(j + 2, qn)
                return carry

            lax.fori_loop(1, C // 4, body, 0)
            for p in range(4):
                scatter_wait(p)
            plsc.subcore_barrier()
            pltpu.sync_copy(acc_sm.at[pl.ds(s * RPT, RPT)], out_hbm.at[c, q, s])

    return k(hq, isrcq, idst, zeros)


def _t1_body(x_ref, deg_ref, xs_ref, dinv_ref):
    deg = deg_ref[0] + deg_ref[1]
    degt = deg[:, 0:1] + 1.0
    dinv = lax.rsqrt(degt)
    xs = x_ref[...] * dinv
    xs_ref[0] = xs[:, :64]
    xs_ref[1] = xs[:, 64:]
    dinv_ref[...] = dinv


def _t2_body(a0_ref, a1_ref, x0_ref, x1_ref, dinv_ref, b1_ref, w1_ref,
             w2_ref, out_ref):
    dinv = dinv_ref[...]
    u = jnp.concatenate(
        [a0_ref[...] + x0_ref[...], a1_ref[...] + x1_ref[...]], axis=1) * dinv
    z = jnp.dot(u, w1_ref[...], preferred_element_type=jnp.float32)
    a = jnp.maximum(z + b1_ref[...], 0.0)
    h2 = jnp.dot(a, w2_ref[...], preferred_element_type=jnp.float32) * dinv
    out_ref[0] = h2[:, :64]
    out_ref[1] = h2[:, 64:]


def _t3_body(a0_ref, a1_ref, h0_ref, h1_ref, dinv_ref, b2_ref, out_ref):
    r = jnp.concatenate(
        [a0_ref[...] + h0_ref[...], a1_ref[...] + h1_ref[...]], axis=1)
    out_ref[...] = r * dinv_ref[...] + b2_ref[...]


def kernel(x, edge_index, W1, b1, W2, b2):
    src = edge_index[0].astype(jnp.int32)
    dst = edge_index[1].astype(jnp.int32)
    offs2 = jnp.arange(2, dtype=jnp.int32).reshape(2, 1) * N
    isrc2 = (src[None, None] + offs2[:, :, None]).reshape(2, 1, NT, C, K)
    idst = dst.reshape(NT, C, K)
    idst_deg = dst.reshape(2, NT, C2, K)
    ones16 = jnp.ones((K, 16), jnp.float32)
    z16 = jnp.zeros((NT, RPT, 16), jnp.float32)
    zW = jnp.zeros((NT, RPT, W), jnp.float32)
    b1r = b1.reshape(1, 256)
    b2r = b2.reshape(1, 128)

    deg = _deg_kernel(idst_deg, ones16, z16).reshape(2, N, 16)

    xs2, dinv = pl.pallas_call(
        _t1_body,
        grid=(NB,),
        in_specs=[
            pl.BlockSpec((BM, 128), lambda i: (i, 0)),
            pl.BlockSpec((2, BM, 16), lambda i: (0, i, 0)),
        ],
        out_specs=[
            pl.BlockSpec((2, BM, 64), lambda i: (0, i, 0)),
            pl.BlockSpec((BM, 1), lambda i: (i, 0)),
        ],
        out_shape=[
            jax.ShapeDtypeStruct((2, N, 64), jnp.float32),
            jax.ShapeDtypeStruct((N, 1), jnp.float32),
        ],
    )(x, deg)
    xs = xs2.reshape(2 * N, 64)

    acc1 = _edge_scatter(1, xs, isrc2, idst, zW).reshape(2 * N, 64)

    h2s = pl.pallas_call(
        _t2_body,
        grid=(NB,),
        in_specs=[
            pl.BlockSpec((BM, 64), lambda i: (i, 0)),
            pl.BlockSpec((BM, 64), lambda i: (NB + i, 0)),
            pl.BlockSpec((BM, 64), lambda i: (i, 0)),
            pl.BlockSpec((BM, 64), lambda i: (NB + i, 0)),
            pl.BlockSpec((BM, 1), lambda i: (i, 0)),
            pl.BlockSpec((1, 256), lambda i: (0, 0)),
            pl.BlockSpec((128, 256), lambda i: (0, 0)),
            pl.BlockSpec((256, 128), lambda i: (0, 0)),
        ],
        out_specs=pl.BlockSpec((2, BM, 64), lambda i: (0, i, 0)),
        out_shape=jax.ShapeDtypeStruct((2, N, 64), jnp.float32),
    )(acc1, acc1, xs, xs, dinv, b1r, W1, W2)
    h2cat = h2s.reshape(2 * N, 64)

    acc2 = _edge_scatter(1, h2cat, isrc2, idst, zW).reshape(2 * N, 64)

    return pl.pallas_call(
        _t3_body,
        grid=(NB,),
        in_specs=[
            pl.BlockSpec((BM, 64), lambda i: (i, 0)),
            pl.BlockSpec((BM, 64), lambda i: (NB + i, 0)),
            pl.BlockSpec((BM, 64), lambda i: (i, 0)),
            pl.BlockSpec((BM, 64), lambda i: (NB + i, 0)),
            pl.BlockSpec((BM, 1), lambda i: (i, 0)),
            pl.BlockSpec((1, 128), lambda i: (0, 0)),
        ],
        out_specs=pl.BlockSpec((BM, 128), lambda i: (i, 0)),
        out_shape=jax.ShapeDtypeStruct((N, 128), jnp.float32),
    )(acc2, acc2, h2cat, h2cat, dinv, b2r)

# --- scband reference (transcript-rebuilt; emitter-appended) ---
"""Pipeline reference for scband-gcnencoder-26852135534760 (READ-ONLY COPY).

The authoritative reference and input builder live on the scoring server;
editing this copy changes nothing except your own understanding.
"""

import jax, jax.numpy as jnp
import numpy as np

N = 10000
E = 320000
D_IN = 128
D_HID = 256
D_OUT = 128


def setup_inputs(seed: int = 0) -> dict:
    key = jax.random.key(seed)
    ks = jax.random.split(key, 6)
    x = jax.random.normal(ks[0], (N, D_IN), dtype=jnp.float32)
    edge_index = jax.random.randint(ks[1], (2, E), 0, N).astype(jnp.int64)
    W1 = jax.random.normal(ks[2], (D_IN, D_HID), dtype=jnp.float32) / np.sqrt(D_IN)
    b1 = jnp.zeros((D_HID,), dtype=jnp.float32)
    W2 = jax.random.normal(ks[3], (D_HID, D_OUT), dtype=jnp.float32) / np.sqrt(D_HID)
    b2 = jnp.zeros((D_OUT,), dtype=jnp.float32)
    return {"x": x, "edge_index": edge_index, "W1": W1, "b1": b1, "W2": W2, "b2": b2}


def _gcn_conv(x, edge_index, W, b):
    # Faithful PyG GCNConv: add self-loops, symmetric normalization D^-1/2 (A+I) D^-1/2 X W + b
    n = x.shape[0]
    src = edge_index[0]
    dst = edge_index[1]
    loops = jnp.arange(n, dtype=src.dtype)
    src2 = jnp.concatenate([src, loops])
    dst2 = jnp.concatenate([dst, loops])
    h = x @ W
    deg = jnp.zeros((n,), dtype=h.dtype).at[dst2].add(1.0)
    dinv = jnp.where(deg > 0, jax.lax.rsqrt(deg), 0.0)
    norm = dinv[src2] * dinv[dst2]
    msgs = h[src2] * norm[:, None]
    out = jnp.zeros((n, W.shape[1]), dtype=h.dtype).at[dst2].add(msgs)
    return out + b


def reference(x, edge_index, W1, b1, W2, b2):
    h = _gcn_conv(x, edge_index, W1, b1)
    h = jax.nn.relu(h)
    out = _gcn_conv(h, edge_index, W2, b2)
    return out

if __name__ == "__main__":
    import jax
    _d = setup_inputs()
    print(jax.jit(kernel)(*tuple(_d.values())))

</pallas_src>

<mosaic_0001>
#map = affine_map<(d0, d1) -> (0, 0, 0, 0)>
#map1 = affine_map<(d0, d1) -> (0, 0)>
#map2 = affine_map<(d0, d1) -> (0, 0, 0)>
module attributes {stable_mosaic.version = 14 : i64} {
  func.func @k(%arg0: i32, %arg1: i32, %arg2: memref<2x16x80x125xi32, #tpu.memory_space<hbm>>, %arg3: memref<125x16xf32, #tpu.memory_space<hbm>>, %arg4: memref<16x625x16xf32, #tpu.memory_space<hbm>>, %arg5: memref<2x16x625x16xf32, #tpu.memory_space<hbm>>, %arg6: memref<80x125xi32, #tpu.memory_space<vmem>>, %arg7: memref<125x16xf32, #tpu.memory_space<vmem>>, %arg8: memref<!tpu.dma_semaphore, #tpu.memory_space<semaphore_mem>>, %arg9: memref<10000x16xf32, #tpu.memory_space<vmem_shared>>) attributes {dimension_semantics = [#tpu.dimension_semantics<core_parallel>, #tpu.dimension_semantics<subcore_parallel>], iteration_bounds = array<i64: 2, 16>, scalar_prefetch = 0 : i64, scratch_operands = 4 : i64, tpu.core_type = #tpu.core_type<sc_vector_subcore>, window_params = [{transform_indices = #map}, {transform_indices = #map1}, {transform_indices = #map2}, {transform_indices = #map}]} {
    "tpu.region"() ({
      %run_scoped3A = tpu.sem_alloc : memref<!tpu.dma_semaphore, #tpu.memory_space<semaphore_mem>>
      %dma_start3A = arith.constant 0 : i32
      %dma_start3A_15 = arith.constant 0 : i32
      %dma_start3A_16 = tpu.memref_slice %arg2[%arg0, %arg1, %dma_start3A, %dma_start3A_15] : memref<2x16x80x125xi32, #tpu.memory_space<hbm>> -> memref<1x1x80x125xi32, #tpu.memory_space<hbm>>
      %dma_start3A_17 = tpu.memref_squeeze %dma_start3A_16 : memref<1x1x80x125xi32, #tpu.memory_space<hbm>> -> memref<80x125xi32, #tpu.memory_space<hbm>>
      %dma_start3A_18 = arith.constant 0 : i32
      %dma_start3A_19 = arith.constant 0 : i32
      %dma_start3A_20 = tpu.memref_slice %arg2[%arg0, %arg1, %dma_start3A_18, %dma_start3A_19] : memref<2x16x80x125xi32, #tpu.memory_space<hbm>> -> memref<1x1x80x125xi32, #tpu.memory_space<hbm>>
      %dma_start3A_21 = tpu.memref_squeeze %dma_start3A_20 : memref<1x1x80x125xi32, #tpu.memory_space<hbm>> -> memref<80x125xi32, #tpu.memory_space<hbm>>
      tpu.enqueue_dma source(%dma_start3A_21 : memref<80x125xi32, #tpu.memory_space<hbm>>) target(%arg6 : memref<80x125xi32, #tpu.memory_space<vmem>>) target_semaphore(%run_scoped3A : memref<!tpu.dma_semaphore, #tpu.memory_space<semaphore_mem>>)
      %dma_wait3A = arith.constant 0 : i32
      %dma_wait3A_22 = arith.constant 0 : i32
      %dma_wait3A_23 = tpu.memref_slice %arg2[%arg0, %arg1, %dma_wait3A, %dma_wait3A_22] : memref<2x16x80x125xi32, #tpu.memory_space<hbm>> -> memref<1x1x80x125xi32, #tpu.memory_space<hbm>>
      %dma_wait3A_24 = tpu.memref_squeeze %dma_wait3A_23 : memref<1x1x80x125xi32, #tpu.memory_space<hbm>> -> memref<80x125xi32, #tpu.memory_space<hbm>>
      %dma_wait3A_25 = arith.constant 0 : i32
      %dma_wait3A_26 = arith.constant 0 : i32
      %dma_wait3A_27 = tpu.memref_slice %arg2[%arg0, %arg1, %dma_wait3A_25, %dma_wait3A_26] : memref<2x16x80x125xi32, #tpu.memory_space<hbm>> -> memref<1x1x80x125xi32, #tpu.memory_space<hbm>>
      %dma_wait3A_28 = tpu.memref_squeeze %dma_wait3A_27 : memref<1x1x80x125xi32, #tpu.memory_space<hbm>> -> memref<80x125xi32, #tpu.memory_space<hbm>>
      tpu.wait_dma2 semaphore(%run_scoped3A : memref<!tpu.dma_semaphore, #tpu.memory_space<semaphore_mem>>) src(%dma_wait3A_28 : memref<80x125xi32, #tpu.memory_space<hbm>>) dst(%arg6 : memref<80x125xi32, #tpu.memory_space<vmem>>)
      tpu.yield
    }) : () -> ()
    "tpu.region"() ({
      %run_scoped3A = tpu.sem_alloc : memref<!tpu.dma_semaphore, #tpu.memory_space<semaphore_mem>>
      tpu.enqueue_dma source(%arg3 : memref<125x16xf32, #tpu.memory_space<hbm>>) target(%arg7 : memref<125x16xf32, #tpu.memory_space<vmem>>) target_semaphore(%run_scoped3A : memref<!tpu.dma_semaphore, #tpu.memory_space<semaphore_mem>>)
      tpu.wait_dma2 semaphore(%run_scoped3A : memref<!tpu.dma_semaphore, #tpu.memory_space<semaphore_mem>>) src(%arg3 : memref<125x16xf32, #tpu.memory_space<hbm>>) dst(%arg7 : memref<125x16xf32, #tpu.memory_space<vmem>>)
      tpu.yield
    }) : () -> ()
    %mul3A = arith.constant 625 : i32
    %mul3A_0 = arith.muli %arg1, %mul3A : i32
    "tpu.region"() ({
      %run_scoped3A = tpu.sem_alloc : memref<!tpu.dma_semaphore, #tpu.memory_space<semaphore_mem>>
      %dma_start3A = arith.constant 0 : i32
      %dma_start3A_15 = tpu.memref_slice %arg9[%mul3A_0, %dma_start3A] : memref<10000x16xf32, #tpu.memory_space<vmem_shared>> -> memref<625x16xf32, #tpu.memory_space<vmem_shared>>
      %dma_start3A_16 = arith.constant 0 : i32
      %dma_start3A_17 = arith.constant 0 : i32
      %dma_start3A_18 = tpu.memref_slice %arg4[%arg1, %dma_start3A_16, %dma_start3A_17] : memref<16x625x16xf32, #tpu.memory_space<hbm>> -> memref<1x625x16xf32, #tpu.memory_space<hbm>>
      %dma_start3A_19 = tpu.memref_squeeze %dma_start3A_18 : memref<1x625x16xf32, #tpu.memory_space<hbm>> -> memref<625x16xf32, #tpu.memory_space<hbm>>
      tpu.enqueue_dma source(%dma_start3A_19 : memref<625x16xf32, #tpu.memory_space<hbm>>) target(%dma_start3A_15 : memref<625x16xf32, #tpu.memory_space<vmem_shared>>) target_semaphore(%run_scoped3A : memref<!tpu.dma_semaphore, #tpu.memory_space<semaphore_mem>>)
      %dma_wait3A = arith.constant 0 : i32
      %dma_wait3A_20 = tpu.memref_slice %arg9[%mul3A_0, %dma_wait3A] : memref<10000x16xf32, #tpu.memory_space<vmem_shared>> -> memref<625x16xf32, #tpu.memory_space<vmem_shared>>
      %dma_wait3A_21 = arith.constant 0 : i32
      %dma_wait3A_22 = arith.constant 0 : i32
      %dma_wait3A_23 = tpu.memref_slice %arg4[%arg1, %dma_wait3A_21, %dma_wait3A_22] : memref<16x625x16xf32, #tpu.memory_space<hbm>> -> memref<1x625x16xf32, #tpu.memory_space<hbm>>
      %dma_wait3A_24 = tpu.memref_squeeze %dma_wait3A_23 : memref<1x625x16xf32, #tpu.memory_space<hbm>> -> memref<625x16xf32, #tpu.memory_space<hbm>>
      tpu.wait_dma2 semaphore(%run_scoped3A : memref<!tpu.dma_semaphore, #tpu.memory_space<semaphore_mem>>) src(%dma_wait3A_24 : memref<625x16xf32, #tpu.memory_space<hbm>>) dst(%dma_wait3A_20 : memref<625x16xf32, #tpu.memory_space<vmem_shared>>)
      tpu.yield
    }) : () -> ()
    %barrier3A = arith.constant 0 : index
    tpu.barrier barrier_id(%barrier3A)
    %scan3A = arith.constant 0 : i32
    %scan3A_1 = arith.constant 0 : i32
    %scan3A_2 = arith.constant 80 : i32
    %scan3A_3 = arith.addi %scan3A_1, %scan3A_2 : i32
    %scan3A_4 = arith.constant 1 : i32
    scf.for %scan3A_15 = %scan3A_1 to %scan3A_3 step %scan3A_4  : i32 {
      %dma_start3A = arith.constant 0 : i32
      %dma_start3A_16 = tpu.memref_slice %arg6[%scan3A_15, %dma_start3A] : memref<80x125xi32, #tpu.memory_space<vmem>> -> memref<1x125xi32, #tpu.memory_space<vmem>>
      %dma_start3A_17 = tpu.memref_squeeze %dma_start3A_16 : memref<1x125xi32, #tpu.memory_space<vmem>> -> memref<125xi32, #tpu.memory_space<vmem>>
      %dma_start3A_18 = arith.constant 0 : i32
      %dma_start3A_19 = arith.constant 0 : i32
      %dma_start3A_20 = tpu.memref_slice %arg9[%dma_start3A_18, %dma_start3A_19] : memref<10000x16xf32, #tpu.memory_space<vmem_shared>> -> memref<10000x16xf32, #tpu.memory_space<vmem_shared>>
      tpu.enqueue_indirect_dma source(%arg7 : memref<125x16xf32, #tpu.memory_space<vmem>>) target(%dma_start3A_20 : memref<10000x16xf32, #tpu.memory_space<vmem_shared>>) offsets(%dma_start3A_17 : memref<125xi32, #tpu.memory_space<vmem>>) semaphore(%arg8 : memref<!tpu.dma_semaphore, #tpu.memory_space<semaphore_mem>>) {add = true}
    }
    %scan3A_5 = arith.constant 80 : i32
    %scan3A_6 = arith.constant 0 : i32
    %scan3A_7 = arith.constant 0 : i32
    %scan3A_8 = arith.constant 80 : i32
    %scan3A_9 = arith.addi %scan3A_7, %scan3A_8 : i32
    %scan3A_10 = arith.constant 1 : i32
    scf.for %scan3A_15 = %scan3A_7 to %scan3A_9 step %scan3A_10  : i32 {
      %dma_wait3A = arith.constant 0 : i32
      %dma_wait3A_16 = arith.constant 0 : i32
      %dma_wait3A_17 = tpu.memref_slice %arg6[%dma_wait3A, %dma_wait3A_16] : memref<80x125xi32, #tpu.memory_space<vmem>> -> memref<1x125xi32, #tpu.memory_space<vmem>>
      %dma_wait3A_18 = tpu.memref_squeeze %dma_wait3A_17 : memref<1x125xi32, #tpu.memory_space<vmem>> -> memref<125xi32, #tpu.memory_space<vmem>>
      %dma_wait3A_19 = arith.constant 0 : i32
      %dma_wait3A_20 = arith.constant 0 : i32
      %dma_wait3A_21 = tpu.memref_slice %arg9[%dma_wait3A_19, %dma_wait3A_20] : memref<10000x16xf32, #tpu.memory_space<vmem_shared>> -> memref<10000x16xf32, #tpu.memory_space<vmem_shared>>
      tpu.wait_indirect_dma semaphore(%arg8 : memref<!tpu.dma_semaphore, #tpu.memory_space<semaphore_mem>>) src(%arg7 : memref<125x16xf32, #tpu.memory_space<vmem>>) dst(%dma_wait3A_21 : memref<10000x16xf32, #tpu.memory_space<vmem_shared>>)
    }
    %scan3A_11 = arith.constant 80 : i32
    %barrier3A_12 = arith.constant 0 : index
    tpu.barrier barrier_id(%barrier3A_12)
    %mul3A_13 = arith.constant 625 : i32
    %mul3A_14 = arith.muli %arg1, %mul3A_13 : i32
    "tpu.region"() ({
      %run_scoped3A = tpu.sem_alloc : memref<!tpu.dma_semaphore, #tpu.memory_space<semaphore_mem>>
      %dma_start3A = arith.constant 0 : i32
      %dma_start3A_15 = arith.constant 0 : i32
      %dma_start3A_16 = tpu.memref_slice %arg5[%arg0, %arg1, %dma_start3A, %dma_start3A_15] : memref<2x16x625x16xf32, #tpu.memory_space<hbm>> -> memref<1x1x625x16xf32, #tpu.memory_space<hbm>>
      %dma_start3A_17 = tpu.memref_squeeze %dma_start3A_16 : memref<1x1x625x16xf32, #tpu.memory_space<hbm>> -> memref<625x16xf32, #tpu.memory_space<hbm>>
      %dma_start3A_18 = arith.constant 0 : i32
      %dma_start3A_19 = tpu.memref_slice %arg9[%mul3A_14, %dma_start3A_18] : memref<10000x16xf32, #tpu.memory_space<vmem_shared>> -> memref<625x16xf32, #tpu.memory_space<vmem_shared>>
      tpu.enqueue_dma source(%dma_start3A_19 : memref<625x16xf32, #tpu.memory_space<vmem_shared>>) target(%dma_start3A_17 : memref<625x16xf32, #tpu.memory_space<hbm>>) target_semaphore(%run_scoped3A : memref<!tpu.dma_semaphore, #tpu.memory_space<semaphore_mem>>)
      %dma_wait3A = arith.constant 0 : i32
      %dma_wait3A_20 = arith.constant 0 : i32
      %dma_wait3A_21 = tpu.memref_slice %arg5[%arg0, %arg1, %dma_wait3A, %dma_wait3A_20] : memref<2x16x625x16xf32, #tpu.memory_space<hbm>> -> memref<1x1x625x16xf32, #tpu.memory_space<hbm>>
      %dma_wait3A_22 = tpu.memref_squeeze %dma_wait3A_21 : memref<1x1x625x16xf32, #tpu.memory_space<hbm>> -> memref<625x16xf32, #tpu.memory_space<hbm>>
      %dma_wait3A_23 = arith.constant 0 : i32
      %dma_wait3A_24 = tpu.memref_slice %arg9[%mul3A_14, %dma_wait3A_23] : memref<10000x16xf32, #tpu.memory_space<vmem_shared>> -> memref<625x16xf32, #tpu.memory_space<vmem_shared>>
      tpu.wait_dma2 semaphore(%run_scoped3A : memref<!tpu.dma_semaphore, #tpu.memory_space<semaphore_mem>>) src(%dma_wait3A_24 : memref<625x16xf32, #tpu.memory_space<vmem_shared>>) dst(%dma_wait3A_22 : memref<625x16xf32, #tpu.memory_space<hbm>>)
      tpu.yield
    }) : () -> ()
    return
  }
}

#map = affine_map<(d0, d1) -> (0, 0)>
#map1 = affine_map<(d0, d1) -> (0, 0, 0, 0, 0)>
#map2 = affine_map<(d0, d1) -> (0, 0, 0)>
module attributes {stable_mosaic.version = 14 : i64} {
  func.func @k(%arg0: i32, %arg1: i32, %arg2: memref<20000x64xf32, #tpu.memory_space<hbm>>, %arg3: memref<2x1x16x160x125xi32, #tpu.memory_space<hbm>>, %arg4: memref<16x160x125xi32, #tpu.memory_space<hbm>>, %arg5: memref<16x625x64xf32, #tpu.memory_space<hbm>>, %arg6: memref<2x1x16x625x64xf32, #tpu.memory_space<hbm>>, %arg7: memref<160x125xi32, #tpu.memory_space<vmem>>, %arg8: memref<160x125xi32, #tpu.memory_space<vmem>>, %arg9: memref<125x64xf32, #tpu.memory_space<vmem>>, %arg10: memref<125x64xf32, #tpu.memory_space<vmem>>, %arg11: memref<125x64xf32, #tpu.memory_space<vmem>>, %arg12: memref<125x64xf32, #tpu.memory_space<vmem>>, %arg13: memref<!tpu.dma_semaphore, #tpu.memory_space<semaphore_mem>>, %arg14: memref<!tpu.dma_semaphore, #tpu.memory_space<semaphore_mem>>, %arg15: memref<!tpu.dma_semaphore, #tpu.memory_space<semaphore_mem>>, %arg16: memref<!tpu.dma_semaphore, #tpu.memory_space<semaphore_mem>>, %arg17: memref<!tpu.dma_semaphore, #tpu.memory_space<semaphore_mem>>, %arg18: memref<!tpu.dma_semaphore, #tpu.memory_space<semaphore_mem>>, %arg19: memref<!tpu.dma_semaphore, #tpu.memory_space<semaphore_mem>>, %arg20: memref<!tpu.dma_semaphore, #tpu.memory_space<semaphore_mem>>, %arg21: memref<10000x64xf32, #tpu.memory_space<vmem_shared>>) attributes {dimension_semantics = [#tpu.dimension_semantics<core_parallel>, #tpu.dimension_semantics<subcore_parallel>], iteration_bounds = array<i64: 2, 16>, scalar_prefetch = 0 : i64, scratch_operands = 15 : i64, tpu.core_type = #tpu.core_type<sc_vector_subcore>, window_params = [{transform_indices = #map}, {transform_indices = #map1}, {transform_indices = #map2}, {transform_indices = #map2}, {transform_indices = #map1}]} {
    "tpu.region"() ({
      %run_scoped3A_148 = tpu.sem_alloc : memref<!tpu.dma_semaphore, #tpu.memory_space<semaphore_mem>>
      %dma_start3A_149 = arith.constant 0 : i32
      %dma_start3A_150 = arith.constant 0 : i32
      %dma_start3A_151 = tpu.memref_slice %arg4[%arg1, %dma_start3A_149, %dma_start3A_150] : memref<16x160x125xi32, #tpu.memory_space<hbm>> -> memref<1x160x125xi32, #tpu.memory_space<hbm>>
      %dma_start3A_152 = tpu.memref_squeeze %dma_start3A_151 : memref<1x160x125xi32, #tpu.memory_space<hbm>> -> memref<160x125xi32, #tpu.memory_space<hbm>>
      %dma_start3A_153 = arith.constant 0 : i32
      %dma_start3A_154 = arith.constant 0 : i32
      %dma_start3A_155 = tpu.memref_slice %arg4[%arg1, %dma_start3A_153, %dma_start3A_154] : memref<16x160x125xi32, #tpu.memory_space<hbm>> -> memref<1x160x125xi32, #tpu.memory_space<hbm>>
      %dma_start3A_156 = tpu.memref_squeeze %dma_start3A_155 : memref<1x160x125xi32, #tpu.memory_space<hbm>> -> memref<160x125xi32, #tpu.memory_space<hbm>>
      tpu.enqueue_dma source(%dma_start3A_156 : memref<160x125xi32, #tpu.memory_space<hbm>>) target(%arg8 : memref<160x125xi32, #tpu.memory_space<vmem>>) target_semaphore(%run_scoped3A_148 : memref<!tpu.dma_semaphore, #tpu.memory_space<semaphore_mem>>)
      %dma_wait3A_157 = arith.constant 0 : i32
      %dma_wait3A_158 = arith.constant 0 : i32
      %dma_wait3A_159 = tpu.memref_slice %arg4[%arg1, %dma_wait3A_157, %dma_wait3A_158] : memref<16x160x125xi32, #tpu.memory_space<hbm>> -> memref<1x160x125xi32, #tpu.memory_space<hbm>>
      %dma_wait3A_160 = tpu.memref_squeeze %dma_wait3A_159 : memref<1x160x125xi32, #tpu.memory_space<hbm>> -> memref<160x125xi32, #tpu.memory_space<hbm>>
      %dma_wait3A_161 = arith.constant 0 : i32
      %dma_wait3A_162 = arith.constant 0 : i32
      %dma_wait3A_163 = tpu.memref_slice %arg4[%arg1, %dma_wait3A_161, %dma_wait3A_162] : memref<16x160x125xi32, #tpu.memory_space<hbm>> -> memref<1x160x125xi32, #tpu.memory_space<hbm>>
      %dma_wait3A_164 = tpu.memref_squeeze %dma_wait3A_163 : memref<1x160x125xi32, #tpu.memory_space<hbm>> -> memref<160x125xi32, #tpu.memory_space<hbm>>
      tpu.wait_dma2 semaphore(%run_scoped3A_148 : memref<!tpu.dma_semaphore, #tpu.memory_space<semaphore_mem>>) src(%dma_wait3A_164 : memref<160x125xi32, #tpu.memory_space<hbm>>) dst(%arg8 : memref<160x125xi32, #tpu.memory_space<vmem>>)
      tpu.yield
    }) : () -> ()
    %run_scoped3A = arith.constant 0 : i32
    "tpu.region"() ({
      %run_scoped3A_148 = tpu.sem_alloc : memref<!tpu.dma_semaphore, #tpu.memory_space<semaphore_mem>>
      %dma_start3A_149 = arith.constant 0 : i32
      %dma_start3A_150 = arith.constant 0 : i32
      %dma_start3A_151 = tpu.memref_slice %arg3[%arg0, %run_scoped3A, %arg1, %dma_start3A_149, %dma_start3A_150] : memref<2x1x16x160x125xi32, #tpu.memory_space<hbm>> -> memref<1x1x1x160x125xi32, #tpu.memory_space<hbm>>
      %dma_start3A_152 = tpu.memref_squeeze %dma_start3A_151 : memref<1x1x1x160x125xi32, #tpu.memory_space<hbm>> -> memref<160x125xi32, #tpu.memory_space<hbm>>
      %dma_start3A_153 = arith.constant 0 : i32
      %dma_start3A_154 = arith.constant 0 : i32
      %dma_start3A_155 = tpu.memref_slice %arg3[%arg0, %run_scoped3A, %arg1, %dma_start3A_153, %dma_start3A_154] : memref<2x1x16x160x125xi32, #tpu.memory_space<hbm>> -> memref<1x1x1x160x125xi32, #tpu.memory_space<hbm>>
      %dma_start3A_156 = tpu.memref_squeeze %dma_start3A_155 : memref<1x1x1x160x125xi32, #tpu.memory_space<hbm>> -> memref<160x125xi32, #tpu.memory_space<hbm>>
      tpu.enqueue_dma source(%dma_start3A_156 : memref<160x125xi32, #tpu.memory_space<hbm>>) target(%arg7 : memref<160x125xi32, #tpu.memory_space<vmem>>) target_semaphore(%run_scoped3A_148 : memref<!tpu.dma_semaphore, #tpu.memory_space<semaphore_mem>>)
      %dma_wait3A_157 = arith.constant 0 : i32
      %dma_wait3A_158 = arith.constant 0 : i32
      %dma_wait3A_159 = tpu.memref_slice %arg3[%arg0, %run_scoped3A, %arg1, %dma_wait3A_157, %dma_wait3A_158] : memref<2x1x16x160x125xi32, #tpu.memory_space<hbm>> -> memref<1x1x1x160x125xi32, #tpu.memory_space<hbm>>
      %dma_wait3A_160 = tpu.memref_squeeze %dma_wait3A_159 : memref<1x1x1x160x125xi32, #tpu.memory_space<hbm>> -> memref<160x125xi32, #tpu.memory_space<hbm>>
      %dma_wait3A_161 = arith.constant 0 : i32
      %dma_wait3A_162 = arith.constant 0 : i32
      %dma_wait3A_163 = tpu.memref_slice %arg3[%arg0, %run_scoped3A, %arg1, %dma_wait3A_161, %dma_wait3A_162] : memref<2x1x16x160x125xi32, #tpu.memory_space<hbm>> -> memref<1x1x1x160x125xi32, #tpu.memory_space<hbm>>
      %dma_wait3A_164 = tpu.memref_squeeze %dma_wait3A_163 : memref<1x1x1x160x125xi32, #tpu.memory_space<hbm>> -> memref<160x125xi32, #tpu.memory_space<hbm>>
      tpu.wait_dma2 semaphore(%run_scoped3A_148 : memref<!tpu.dma_semaphore, #tpu.memory_space<semaphore_mem>>) src(%dma_wait3A_164 : memref<160x125xi32, #tpu.memory_space<hbm>>) dst(%arg7 : memref<160x125xi32, #tpu.memory_space<vmem>>)
      tpu.yield
    }) : () -> ()
    %mul3A = arith.constant 625 : i32
    %mul3A_0 = arith.muli %arg1, %mul3A : i32
    "tpu.region"() ({
      %run_scoped3A_148 = tpu.sem_alloc : memref<!tpu.dma_semaphore, #tpu.memory_space<semaphore_mem>>
      %dma_start3A_149 = arith.constant 0 : i32
      %dma_start3A_150 = tpu.memref_slice %arg21[%mul3A_0, %dma_start3A_149] : memref<10000x64xf32, #tpu.memory_space<vmem_shared>> -> memref<625x64xf32, #tpu.memory_space<vmem_shared>>
      %dma_start3A_151 = arith.constant 0 : i32
      %dma_start3A_152 = arith.constant 0 : i32
      %dma_start3A_153 = tpu.memref_slice %arg5[%arg1, %dma_start3A_151, %dma_start3A_152] : memref<16x625x64xf32, #tpu.memory_space<hbm>> -> memref<1x625x64xf32, #tpu.memory_space<hbm>>
      %dma_start3A_154 = tpu.memref_squeeze %dma_start3A_153 : memref<1x625x64xf32, #tpu.memory_space<hbm>> -> memref<625x64xf32, #tpu.memory_space<hbm>>
      tpu.enqueue_dma source(%dma_start3A_154 : memref<625x64xf32, #tpu.memory_space<hbm>>) target(%dma_start3A_150 : memref<625x64xf32, #tpu.memory_space<vmem_shared>>) target_semaphore(%run_scoped3A_148 : memref<!tpu.dma_semaphore, #tpu.memory_space<semaphore_mem>>)
      %dma_wait3A_155 = arith.constant 0 : i32
      %dma_wait3A_156 = tpu.memref_slice %arg21[%mul3A_0, %dma_wait3A_155] : memref<10000x64xf32, #tpu.memory_space<vmem_shared>> -> memref<625x64xf32, #tpu.memory_space<vmem_shared>>
      %dma_wait3A_157 = arith.constant 0 : i32
      %dma_wait3A_158 = arith.constant 0 : i32
      %dma_wait3A_159 = tpu.memref_slice %arg5[%arg1, %dma_wait3A_157, %dma_wait3A_158] : memref<16x625x64xf32, #tpu.memory_space<hbm>> -> memref<1x625x64xf32, #tpu.memory_space<hbm>>
      %dma_wait3A_160 = tpu.memref_squeeze %dma_wait3A_159 : memref<1x625x64xf32, #tpu.memory_space<hbm>> -> memref<625x64xf32, #tpu.memory_space<hbm>>
      tpu.wait_dma2 semaphore(%run_scoped3A_148 : memref<!tpu.dma_semaphore, #tpu.memory_space<semaphore_mem>>) src(%dma_wait3A_160 : memref<625x64xf32, #tpu.memory_space<hbm>>) dst(%dma_wait3A_156 : memref<625x64xf32, #tpu.memory_space<vmem_shared>>)
      tpu.yield
    }) : () -> ()
    %dma_start3A = arith.constant 0 : i32
    %dma_start3A_1 = arith.constant 0 : i32
    %dma_start3A_2 = tpu.memref_slice %arg7[%dma_start3A, %dma_start3A_1] : memref<160x125xi32, #tpu.memory_space<vmem>> -> memref<1x125xi32, #tpu.memory_space<vmem>>
    %dma_start3A_3 = tpu.memref_squeeze %dma_start3A_2 : memref<1x125xi32, #tpu.memory_space<vmem>> -> memref<125xi32, #tpu.memory_space<vmem>>
    %dma_start3A_4 = arith.constant 0 : i32
    %dma_start3A_5 = arith.constant 0 : i32
    %dma_start3A_6 = tpu.memref_slice %arg2[%dma_start3A_4, %dma_start3A_5] : memref<20000x64xf32, #tpu.memory_space<hbm>> -> memref<20000x64xf32, #tpu.memory_space<hbm>>
    tpu.enqueue_indirect_dma source(%dma_start3A_6 : memref<20000x64xf32, #tpu.memory_space<hbm>>) target(%arg9 : memref<125x64xf32, #tpu.memory_space<vmem>>) offsets(%dma_start3A_3 : memref<125xi32, #tpu.memory_space<vmem>>) semaphore(%arg13 : memref<!tpu.dma_semaphore, #tpu.memory_space<semaphore_mem>>)
    %dma_start3A_7 = arith.constant 1 : i32
    %dma_start3A_8 = arith.constant 0 : i32
    %dma_start3A_9 = tpu.memref_slice %arg7[%dma_start3A_7, %dma_start3A_8] : memref<160x125xi32, #tpu.memory_space<vmem>> -> memref<1x125xi32, #tpu.memory_space<vmem>>
    %dma_start3A_10 = tpu.memref_squeeze %dma_start3A_9 : memref<1x125xi32, #tpu.memory_space<vmem>> -> memref<125xi32, #tpu.memory_space<vmem>>
    %dma_start3A_11 = arith.constant 0 : i32
    %dma_start3A_12 = arith.constant 0 : i32
    %dma_start3A_13 = tpu.memref_slice %arg2[%dma_start3A_11, %dma_start3A_12] : memref<20000x64xf32, #tpu.memory_space<hbm>> -> memref<20000x64xf32, #tpu.memory_space<hbm>>
    tpu.enqueue_indirect_dma source(%dma_start3A_13 : memref<20000x64xf32, #tpu.memory_space<hbm>>) target(%arg10 : memref<125x64xf32, #tpu.memory_space<vmem>>) offsets(%dma_start3A_10 : memref<125xi32, #tpu.memory_space<vmem>>) semaphore(%arg14 : memref<!tpu.dma_semaphore, #tpu.memory_space<semaphore_mem>>)
    %barrier3A = arith.constant 0 : index
    tpu.barrier barrier_id(%barrier3A)
    %dma_wait3A = arith.constant 0 : i32
    %dma_wait3A_14 = arith.constant 0 : i32
    %dma_wait3A_15 = tpu.memref_slice %arg7[%dma_wait3A, %dma_wait3A_14] : memref<160x125xi32, #tpu.memory_space<vmem>> -> memref<1x125xi32, #tpu.memory_space<vmem>>
    %dma_wait3A_16 = tpu.memref_squeeze %dma_wait3A_15 : memref<1x125xi32, #tpu.memory_space<vmem>> -> memref<125xi32, #tpu.memory_space<vmem>>
    %dma_wait3A_17 = arith.constant 0 : i32
    %dma_wait3A_18 = arith.constant 0 : i32
    %dma_wait3A_19 = tpu.memref_slice %arg2[%dma_wait3A_17, %dma_wait3A_18] : memref<20000x64xf32, #tpu.memory_space<hbm>> -> memref<20000x64xf32, #tpu.memory_space<hbm>>
    tpu.wait_indirect_dma semaphore(%arg13 : memref<!tpu.dma_semaphore, #tpu.memory_space<semaphore_mem>>) src(%dma_wait3A_19 : memref<20000x64xf32, #tpu.memory_space<hbm>>) dst(%arg9 : memref<125x64xf32, #tpu.memory_space<vmem>>)
    %dma_start3A_20 = arith.constant 0 : i32
    %dma_start3A_21 = arith.constant 0 : i32
    %dma_start3A_22 = tpu.memref_slice %arg8[%dma_start3A_20, %dma_start3A_21] : memref<160x125xi32, #tpu.memory_space<vmem>> -> memref<1x125xi32, #tpu.memory_space<vmem>>
    %dma_start3A_23 = tpu.memref_squeeze %dma_start3A_22 : memref<1x125xi32, #tpu.memory_space<vmem>> -> memref<125xi32, #tpu.memory_space<vmem>>
    %dma_start3A_24 = arith.constant 0 : i32
    %dma_start3A_25 = arith.constant 0 : i32
    %dma_start3A_26 = tpu.memref_slice %arg21[%dma_start3A_24, %dma_start3A_25] : memref<10000x64xf32, #tpu.memory_space<vmem_shared>> -> memref<10000x64xf32, #tpu.memory_space<vmem_shared>>
    tpu.enqueue_indirect_dma source(%arg9 : memref<125x64xf32, #tpu.memory_space<vmem>>) target(%dma_start3A_26 : memref<10000x64xf32, #tpu.memory_space<vmem_shared>>) offsets(%dma_start3A_23 : memref<125xi32, #tpu.memory_space<vmem>>) semaphore(%arg17 : memref<!tpu.dma_semaphore, #tpu.memory_space<semaphore_mem>>) {add = true}
    %dma_start3A_27 = arith.constant 2 : i32
    %dma_start3A_28 = arith.constant 0 : i32
    %dma_start3A_29 = tpu.memref_slice %arg7[%dma_start3A_27, %dma_start3A_28] : memref<160x125xi32, #tpu.memory_space<vmem>> -> memref<1x125xi32, #tpu.memory_space<vmem>>
    %dma_start3A_30 = tpu.memref_squeeze %dma_start3A_29 : memref<1x125xi32, #tpu.memory_space<vmem>> -> memref<125xi32, #tpu.memory_space<vmem>>
    %dma_start3A_31 = arith.constant 0 : i32
    %dma_start3A_32 = arith.constant 0 : i32
    %dma_start3A_33 = tpu.memref_slice %arg2[%dma_start3A_31, %dma_start3A_32] : memref<20000x64xf32, #tpu.memory_space<hbm>> -> memref<20000x64xf32, #tpu.memory_space<hbm>>
    tpu.enqueue_indirect_dma source(%dma_start3A_33 : memref<20000x64xf32, #tpu.memory_space<hbm>>) target(%arg11 : memref<125x64xf32, #tpu.memory_space<vmem>>) offsets(%dma_start3A_30 : memref<125xi32, #tpu.memory_space<vmem>>) semaphore(%arg15 : memref<!tpu.dma_semaphore, #tpu.memory_space<semaphore_mem>>)
    %dma_wait3A_34 = arith.constant 0 : i32
    %dma_wait3A_35 = arith.constant 0 : i32
    %dma_wait3A_36 = tpu.memref_slice %arg7[%dma_wait3A_34, %dma_wait3A_35] : memref<160x125xi32, #tpu.memory_space<vmem>> -> memref<1x125xi32, #tpu.memory_space<vmem>>
    %dma_wait3A_37 = tpu.memref_squeeze %dma_wait3A_36 : memref<1x125xi32, #tpu.memory_space<vmem>> -> memref<125xi32, #tpu.memory_space<vmem>>
    %dma_wait3A_38 = arith.constant 0 : i32
    %dma_wait3A_39 = arith.constant 0 : i32
    %dma_wait3A_40 = tpu.memref_slice %arg2[%dma_wait3A_38, %dma_wait3A_39] : memref<20000x64xf32, #tpu.memory_space<hbm>> -> memref<20000x64xf32, #tpu.memory_space<hbm>>
    tpu.wait_indirect_dma semaphore(%arg14 : memref<!tpu.dma_semaphore, #tpu.memory_space<semaphore_mem>>) src(%dma_wait3A_40 : memref<20000x64xf32, #tpu.memory_space<hbm>>) dst(%arg10 : memref<125x64xf32, #tpu.memory_space<vmem>>)
    %dma_start3A_41 = arith.constant 1 : i32
    %dma_start3A_42 = arith.constant 0 : i32
    %dma_start3A_43 = tpu.memref_slice %arg8[%dma_start3A_41, %dma_start3A_42] : memref<160x125xi32, #tpu.memory_space<vmem>> -> memref<1x125xi32, #tpu.memory_space<vmem>>
    %dma_start3A_44 = tpu.memref_squeeze %dma_start3A_43 : memref<1x125xi32, #tpu.memory_space<vmem>> -> memref<125xi32, #tpu.memory_space<vmem>>
    %dma_start3A_45 = arith.constant 0 : i32
    %dma_start3A_46 = arith.constant 0 : i32
    %dma_start3A_47 = tpu.memref_slice %arg21[%dma_start3A_45, %dma_start3A_46] : memref<10000x64xf32, #tpu.memory_space<vmem_shared>> -> memref<10000x64xf32, #tpu.memory_space<vmem_shared>>
    tpu.enqueue_indirect_dma source(%arg10 : memref<125x64xf32, #tpu.memory_space<vmem>>) target(%dma_start3A_47 : memref<10000x64xf32, #tpu.memory_space<vmem_shared>>) offsets(%dma_start3A_44 : memref<125xi32, #tpu.memory_space<vmem>>) semaphore(%arg18 : memref<!tpu.dma_semaphore, #tpu.memory_space<semaphore_mem>>) {add = true}
    %dma_start3A_48 = arith.constant 3 : i32
    %dma_start3A_49 = arith.constant 0 : i32
    %dma_start3A_50 = tpu.memref_slice %arg7[%dma_start3A_48, %dma_start3A_49] : memref<160x125xi32, #tpu.memory_space<vmem>> -> memref<1x125xi32, #tpu.memory_space<vmem>>
    %dma_start3A_51 = tpu.memref_squeeze %dma_start3A_50 : memref<1x125xi32, #tpu.memory_space<vmem>> -> memref<125xi32, #tpu.memory_space<vmem>>
    %dma_start3A_52 = arith.constant 0 : i32
    %dma_start3A_53 = arith.constant 0 : i32
    %dma_start3A_54 = tpu.memref_slice %arg2[%dma_start3A_52, %dma_start3A_53] : memref<20000x64xf32, #tpu.memory_space<hbm>> -> memref<20000x64xf32, #tpu.memory_space<hbm>>
    tpu.enqueue_indirect_dma source(%dma_start3A_54 : memref<20000x64xf32, #tpu.memory_space<hbm>>) target(%arg12 : memref<125x64xf32, #tpu.memory_space<vmem>>) offsets(%dma_start3A_51 : memref<125xi32, #tpu.memory_space<vmem>>) semaphore(%arg16 : memref<!tpu.dma_semaphore, #tpu.memory_space<semaphore_mem>>)
    %dma_wait3A_55 = arith.constant 0 : i32
    %dma_wait3A_56 = arith.constant 0 : i32
    %dma_wait3A_57 = tpu.memref_slice %arg7[%dma_wait3A_55, %dma_wait3A_56] : memref<160x125xi32, #tpu.memory_space<vmem>> -> memref<1x125xi32, #tpu.memory_space<vmem>>
    %dma_wait3A_58 = tpu.memref_squeeze %dma_wait3A_57 : memref<1x125xi32, #tpu.memory_space<vmem>> -> memref<125xi32, #tpu.memory_space<vmem>>
    %dma_wait3A_59 = arith.constant 0 : i32
    %dma_wait3A_60 = arith.constant 0 : i32
    %dma_wait3A_61 = tpu.memref_slice %arg2[%dma_wait3A_59, %dma_wait3A_60] : memref<20000x64xf32, #tpu.memory_space<hbm>> -> memref<20000x64xf32, #tpu.memory_space<hbm>>
    tpu.wait_indirect_dma semaphore(%arg15 : memref<!tpu.dma_semaphore, #tpu.memory_space<semaphore_mem>>) src(%dma_wait3A_61 : memref<20000x64xf32, #tpu.memory_space<hbm>>) dst(%arg11 : memref<125x64xf32, #tpu.memory_space<vmem>>)
    %dma_start3A_62 = arith.constant 2 : i32
    %dma_start3A_63 = arith.constant 0 : i32
    %dma_start3A_64 = tpu.memref_slice %arg8[%dma_start3A_62, %dma_start3A_63] : memref<160x125xi32, #tpu.memory_space<vmem>> -> memref<1x125xi32, #tpu.memory_space<vmem>>
    %dma_start3A_65 = tpu.memref_squeeze %dma_start3A_64 : memref<1x125xi32, #tpu.memory_space<vmem>> -> memref<125xi32, #tpu.memory_space<vmem>>
    %dma_start3A_66 = arith.constant 0 : i32
    %dma_start3A_67 = arith.constant 0 : i32
    %dma_start3A_68 = tpu.memref_slice %arg21[%dma_start3A_66, %dma_start3A_67] : memref<10000x64xf32, #tpu.memory_space<vmem_shared>> -> memref<10000x64xf32, #tpu.memory_space<vmem_shared>>
    tpu.enqueue_indirect_dma source(%arg11 : memref<125x64xf32, #tpu.memory_space<vmem>>) target(%dma_start3A_68 : memref<10000x64xf32, #tpu.memory_space<vmem_shared>>) offsets(%dma_start3A_65 : memref<125xi32, #tpu.memory_space<vmem>>) semaphore(%arg19 : memref<!tpu.dma_semaphore, #tpu.memory_space<semaphore_mem>>) {add = true}
    %dma_wait3A_69 = arith.constant 0 : i32
    %dma_wait3A_70 = arith.constant 0 : i32
    %dma_wait3A_71 = tpu.memref_slice %arg8[%dma_wait3A_69, %dma_wait3A_70] : memref<160x125xi32, #tpu.memory_space<vmem>> -> memref<1x125xi32, #tpu.memory_space<vmem>>
    %dma_wait3A_72 = tpu.memref_squeeze %dma_wait3A_71 : memref<1x125xi32, #tpu.memory_space<vmem>> -> memref<125xi32, #tpu.memory_space<vmem>>
    %dma_wait3A_73 = arith.constant 0 : i32
    %dma_wait3A_74 = arith.constant 0 : i32
    %dma_wait3A_75 = tpu.memref_slice %arg21[%dma_wait3A_73, %dma_wait3A_74] : memref<10000x64xf32, #tpu.memory_space<vmem_shared>> -> memref<10000x64xf32, #tpu.memory_space<vmem_shared>>
    tpu.wait_indirect_dma semaphore(%arg17 : memref<!tpu.dma_semaphore, #tpu.memory_space<semaphore_mem>>) src(%arg9 : memref<125x64xf32, #tpu.memory_space<vmem>>) dst(%dma_wait3A_75 : memref<10000x64xf32, #tpu.memory_space<vmem_shared>>)
    %dma_start3A_76 = arith.constant 4 : i32
    %dma_start3A_77 = arith.constant 0 : i32
    %dma_start3A_78 = tpu.memref_slice %arg7[%dma_start3A_76, %dma_start3A_77] : memref<160x125xi32, #tpu.memory_space<vmem>> -> memref<1x125xi32, #tpu.memory_space<vmem>>
    %dma_start3A_79 = tpu.memref_squeeze %dma_start3A_78 : memref<1x125xi32, #tpu.memory_space<vmem>> -> memref<125xi32, #tpu.memory_space<vmem>>
    %dma_start3A_80 = arith.constant 0 : i32
    %dma_start3A_81 = arith.constant 0 : i32
    %dma_start3A_82 = tpu.memref_slice %arg2[%dma_start3A_80, %dma_start3A_81] : memref<20000x64xf32, #tpu.memory_space<hbm>> -> memref<20000x64xf32, #tpu.memory_space<hbm>>
    tpu.enqueue_indirect_dma source(%dma_start3A_82 : memref<20000x64xf32, #tpu.memory_space<hbm>>) target(%arg9 : memref<125x64xf32, #tpu.memory_space<vmem>>) offsets(%dma_start3A_79 : memref<125xi32, #tpu.memory_space<vmem>>) semaphore(%arg13 : memref<!tpu.dma_semaphore, #tpu.memory_space<semaphore_mem>>)
    %dma_wait3A_83 = arith.constant 0 : i32
    %dma_wait3A_84 = arith.constant 0 : i32
    %dma_wait3A_85 = tpu.memref_slice %arg7[%dma_wait3A_83, %dma_wait3A_84] : memref<160x125xi32, #tpu.memory_space<vmem>> -> memref<1x125xi32, #tpu.memory_space<vmem>>
    %dma_wait3A_86 = tpu.memref_squeeze %dma_wait3A_85 : memref<1x125xi32, #tpu.memory_space<vmem>> -> memref<125xi32, #tpu.memory_space<vmem>>
    %dma_wait3A_87 = arith.constant 0 : i32
    %dma_wait3A_88 = arith.constant 0 : i32
    %dma_wait3A_89 = tpu.memref_slice %arg2[%dma_wait3A_87, %dma_wait3A_88] : memref<20000x64xf32, #tpu.memory_space<hbm>> -> memref<20000x64xf32, #tpu.memory_space<hbm>>
    tpu.wait_indirect_dma semaphore(%arg16 : memref<!tpu.dma_semaphore, #tpu.memory_space<semaphore_mem>>) src(%dma_wait3A_89 : memref<20000x64xf32, #tpu.memory_space<hbm>>) dst(%arg12 : memref<125x64xf32, #tpu.memory_space<vmem>>)
    %dma_start3A_90 = arith.constant 3 : i32
    %dma_start3A_91 = arith.constant 0 : i32
    %dma_start3A_92 = tpu.memref_slice %arg8[%dma_start3A_90, %dma_start3A_91] : memref<160x125xi32, #tpu.memory_space<vmem>> -> memref<1x125xi32, #tpu.memory_space<vmem>>
    %dma_start3A_93 = tpu.memref_squeeze %dma_start3A_92 : memref<1x125xi32, #tpu.memory_space<vmem>> -> memref<125xi32, #tpu.memory_space<vmem>>
    %dma_start3A_94 = arith.constant 0 : i32
    %dma_start3A_95 = arith.constant 0 : i32
    %dma_start3A_96 = tpu.memref_slice %arg21[%dma_start3A_94, %dma_start3A_95] : memref<10000x64xf32, #tpu.memory_space<vmem_shared>> -> memref<10000x64xf32, #tpu.memory_space<vmem_shared>>
    tpu.enqueue_indirect_dma source(%arg12 : memref<125x64xf32, #tpu.memory_space<vmem>>) target(%dma_start3A_96 : memref<10000x64xf32, #tpu.memory_space<vmem_shared>>) offsets(%dma_start3A_93 : memref<125xi32, #tpu.memory_space<vmem>>) semaphore(%arg20 : memref<!tpu.dma_semaphore, #tpu.memory_space<semaphore_mem>>) {add = true}
    %dma_wait3A_97 = arith.constant 0 : i32
    %dma_wait3A_98 = arith.constant 0 : i32
    %dma_wait3A_99 = tpu.memref_slice %arg8[%dma_wait3A_97, %dma_wait3A_98] : memref<160x125xi32, #tpu.memory_space<vmem>> -> memref<1x125xi32, #tpu.memory_space<vmem>>
    %dma_wait3A_100 = tpu.memref_squeeze %dma_wait3A_99 : memref<1x125xi32, #tpu.memory_space<vmem>> -> memref<125xi32, #tpu.memory_space<vmem>>
    %dma_wait3A_101 = arith.constant 0 : i32
    %dma_wait3A_102 = arith.constant 0 : i32
    %dma_wait3A_103 = tpu.memref_slice %arg21[%dma_wait3A_101, %dma_wait3A_102] : memref<10000x64xf32, #tpu.memory_space<vmem_shared>> -> memref<10000x64xf32, #tpu.memory_space<vmem_shared>>
    tpu.wait_indirect_dma semaphore(%arg18 : memref<!tpu.dma_semaphore, #tpu.memory_space<semaphore_mem>>) src(%arg10 : memref<125x64xf32, #tpu.memory_space<vmem>>) dst(%dma_wait3A_103 : memref<10000x64xf32, #tpu.memory_space<vmem_shared>>)
    %dma_start3A_104 = arith.constant 5 : i32
    %dma_start3A_105 = arith.constant 0 : i32
    %dma_start3A_106 = tpu.memref_slice %arg7[%dma_start3A_104, %dma_start3A_105] : memref<160x125xi32, #tpu.memory_space<vmem>> -> memref<1x125xi32, #tpu.memory_space<vmem>>
    %dma_start3A_107 = tpu.memref_squeeze %dma_start3A_106 : memref<1x125xi32, #tpu.memory_space<vmem>> -> memref<125xi32, #tpu.memory_space<vmem>>
    %dma_start3A_108 = arith.constant 0 : i32
    %dma_start3A_109 = arith.constant 0 : i32
    %dma_start3A_110 = tpu.memref_slice %arg2[%dma_start3A_108, %dma_start3A_109] : memref<20000x64xf32, #tpu.memory_space<hbm>> -> memref<20000x64xf32, #tpu.memory_space<hbm>>
    tpu.enqueue_indirect_dma source(%dma_start3A_110 : memref<20000x64xf32, #tpu.memory_space<hbm>>) target(%arg10 : memref<125x64xf32, #tpu.memory_space<vmem>>) offsets(%dma_start3A_107 : memref<125xi32, #tpu.memory_space<vmem>>) semaphore(%arg14 : memref<!tpu.dma_semaphore, #tpu.memory_space<semaphore_mem>>)
    %scan3A = arith.constant 0 : i32
    %scan3A_111 = arith.constant 1 : i32
    %scan3A_112 = arith.constant 39 : i32
    %scan3A_113 = arith.addi %scan3A_111, %scan3A_112 : i32
    %scan3A_114 = arith.constant 1 : i32
    scf.for %scan3A_148 = %scan3A_111 to %scan3A_113 step %scan3A_114  : i32 {
      %mul3A_149 = arith.constant 4 : i32
      %mul3A_150 = arith.muli %mul3A_149, %scan3A_148 : i32
      %add3A = arith.constant 0 : i32
      %add3A_151 = arith.addi %mul3A_150, %add3A : i32
      %dma_wait3A_152 = arith.constant 0 : i32
      %dma_wait3A_153 = arith.constant 0 : i32
      %dma_wait3A_154 = tpu.memref_slice %arg7[%dma_wait3A_152, %dma_wait3A_153] : memref<160x125xi32, #tpu.memory_space<vmem>> -> memref<1x125xi32, #tpu.memory_space<vmem>>
      %dma_wait3A_155 = tpu.memref_squeeze %dma_wait3A_154 : memref<1x125xi32, #tpu.memory_space<vmem>> -> memref<125xi32, #tpu.memory_space<vmem>>
      %dma_wait3A_156 = arith.constant 0 : i32
      %dma_wait3A_157 = arith.constant 0 : i32
      %dma_wait3A_158 = tpu.memref_slice %arg2[%dma_wait3A_156, %dma_wait3A_157] : memref<20000x64xf32, #tpu.memory_space<hbm>> -> memref<20000x64xf32, #tpu.memory_space<hbm>>
      tpu.wait_indirect_dma semaphore(%arg13 : memref<!tpu.dma_semaphore, #tpu.memory_space<semaphore_mem>>) src(%dma_wait3A_158 : memref<20000x64xf32, #tpu.memory_space<hbm>>) dst(%arg9 : memref<125x64xf32, #tpu.memory_space<vmem>>)
      %dma_start3A_159 = arith.constant 0 : i32
      %dma_start3A_160 = tpu.memref_slice %arg8[%add3A_151, %dma_start3A_159] : memref<160x125xi32, #tpu.memory_space<vmem>> -> memref<1x125xi32, #tpu.memory_space<vmem>>
      %dma_start3A_161 = tpu.memref_squeeze %dma_start3A_160 : memref<1x125xi32, #tpu.memory_space<vmem>> -> memref<125xi32, #tpu.memory_space<vmem>>
      %dma_start3A_162 = arith.constant 0 : i32
      %dma_start3A_163 = arith.constant 0 : i32
      %dma_start3A_164 = tpu.memref_slice %arg21[%dma_start3A_162, %dma_start3A_163] : memref<10000x64xf32, #tpu.memory_space<vmem_shared>> -> memref<10000x64xf32, #tpu.memory_space<vmem_shared>>
      tpu.enqueue_indirect_dma source(%arg9 : memref<125x64xf32, #tpu.memory_space<vmem>>) target(%dma_start3A_164 : memref<10000x64xf32, #tpu.memory_space<vmem_shared>>) offsets(%dma_start3A_161 : memref<125xi32, #tpu.memory_space<vmem>>) semaphore(%arg17 : memref<!tpu.dma_semaphore, #tpu.memory_space<semaphore_mem>>) {add = true}
      %add3A_165 = arith.constant 2 : i32
      %add3A_166 = arith.addi %add3A_151, %add3A_165 : i32
      %lt3A = arith.constant 160 : i32
      %lt3A_167 = arith.cmpi slt, %add3A_166, %lt3A : i32
      %convert_element_type3A = arith.extui %lt3A_167 : i1 to i32
      %cond3A = arith.constant 0 : i32
      %cond3A_168 = arith.cmpi ne, %convert_element_type3A, %cond3A : i32
      scf.if %cond3A_168 {
        %dma_wait3A_235 = arith.constant 0 : i32
        %dma_wait3A_236 = arith.constant 0 : i32
        %dma_wait3A_237 = tpu.memref_slice %arg8[%dma_wait3A_235, %dma_wait3A_236] : memref<160x125xi32, #tpu.memory_space<vmem>> -> memref<1x125xi32, #tpu.memory_space<vmem>>
        %dma_wait3A_238 = tpu.memref_squeeze %dma_wait3A_237 : memref<1x125xi32, #tpu.memory_space<vmem>> -> memref<125xi32, #tpu.memory_space<vmem>>
        %dma_wait3A_239 = arith.constant 0 : i32
        %dma_wait3A_240 = arith.constant 0 : i32
        %dma_wait3A_241 = tpu.memref_slice %arg21[%dma_wait3A_239, %dma_wait3A_240] : memref<10000x64xf32, #tpu.memory_space<vmem_shared>> -> memref<10000x64xf32, #tpu.memory_space<vmem_shared>>
        tpu.wait_indirect_dma semaphore(%arg19 : memref<!tpu.dma_semaphore, #tpu.memory_space<semaphore_mem>>) src(%arg11 : memref<125x64xf32, #tpu.memory_space<vmem>>) dst(%dma_wait3A_241 : memref<10000x64xf32, #tpu.memory_space<vmem_shared>>)
        %add3A_242 = arith.constant 2 : i32
        %add3A_243 = arith.addi %add3A_151, %add3A_242 : i32
        %dma_start3A_244 = arith.constant 0 : i32
        %dma_start3A_245 = tpu.memref_slice %arg7[%add3A_243, %dma_start3A_244] : memref<160x125xi32, #tpu.memory_space<vmem>> -> memref<1x125xi32, #tpu.memory_space<vmem>>
        %dma_start3A_246 = tpu.memref_squeeze %dma_start3A_245 : memref<1x125xi32, #tpu.memory_space<vmem>> -> memref<125xi32, #tpu.memory_space<vmem>>
        %dma_start3A_247 = arith.constant 0 : i32
        %dma_start3A_248 = arith.constant 0 : i32
        %dma_start3A_249 = tpu.memref_slice %arg2[%dma_start3A_247, %dma_start3A_248] : memref<20000x64xf32, #tpu.memory_space<hbm>> -> memref<20000x64xf32, #tpu.memory_space<hbm>>
        tpu.enqueue_indirect_dma source(%dma_start3A_249 : memref<20000x64xf32, #tpu.memory_space<hbm>>) target(%arg11 : memref<125x64xf32, #tpu.memory_space<vmem>>) offsets(%dma_start3A_246 : memref<125xi32, #tpu.memory_space<vmem>>) semaphore(%arg15 : memref<!tpu.dma_semaphore, #tpu.memory_space<semaphore_mem>>)
      } else {
      }
      %add3A_169 = arith.constant 1 : i32
      %add3A_170 = arith.addi %mul3A_150, %add3A_169 : i32
      %dma_wait3A_171 = arith.constant 0 : i32
      %dma_wait3A_172 = arith.constant 0 : i32
      %dma_wait3A_173 = tpu.memref_slice %arg7[%dma_wait3A_171, %dma_wait3A_172] : memref<160x125xi32, #tpu.memory_space<vmem>> -> memref<1x125xi32, #tpu.memory_space<vmem>>
      %dma_wait3A_174 = tpu.memref_squeeze %dma_wait3A_173 : memref<1x125xi32, #tpu.memory_space<vmem>> -> memref<125xi32, #tpu.memory_space<vmem>>
      %dma_wait3A_175 = arith.constant 0 : i32
      %dma_wait3A_176 = arith.constant 0 : i32
      %dma_wait3A_177 = tpu.memref_slice %arg2[%dma_wait3A_175, %dma_wait3A_176] : memref<20000x64xf32, #tpu.memory_space<hbm>> -> memref<20000x64xf32, #tpu.memory_space<hbm>>
      tpu.wait_indirect_dma semaphore(%arg14 : memref<!tpu.dma_semaphore, #tpu.memory_space<semaphore_mem>>) src(%dma_wait3A_177 : memref<20000x64xf32, #tpu.memory_space<hbm>>) dst(%arg10 : memref<125x64xf32, #tpu.memory_space<vmem>>)
      %dma_start3A_178 = arith.constant 0 : i32
      %dma_start3A_179 = tpu.memref_slice %arg8[%add3A_170, %dma_start3A_178] : memref<160x125xi32, #tpu.memory_space<vmem>> -> memref<1x125xi32, #tpu.memory_space<vmem>>
      %dma_start3A_180 = tpu.memref_squeeze %dma_start3A_179 : memref<1x125xi32, #tpu.memory_space<vmem>> -> memref<125xi32, #tpu.memory_space<vmem>>
      %dma_start3A_181 = arith.constant 0 : i32
      %dma_start3A_182 = arith.constant 0 : i32
      %dma_start3A_183 = tpu.memref_slice %arg21[%dma_start3A_181, %dma_start3A_182] : memref<10000x64xf32, #tpu.memory_space<vmem_shared>> -> memref<10000x64xf32, #tpu.memory_space<vmem_shared>>
      tpu.enqueue_indirect_dma source(%arg10 : memref<125x64xf32, #tpu.memory_space<vmem>>) target(%dma_start3A_183 : memref<10000x64xf32, #tpu.memory_space<vmem_shared>>) offsets(%dma_start3A_180 : memref<125xi32, #tpu.memory_space<vmem>>) semaphore(%arg18 : memref<!tpu.dma_semaphore, #tpu.memory_space<semaphore_mem>>) {add = true}
      %add3A_184 = arith.constant 2 : i32
      %add3A_185 = arith.addi %add3A_170, %add3A_184 : i32
      %lt3A_186 = arith.constant 160 : i32
      %lt3A_187 = arith.cmpi slt, %add3A_185, %lt3A_186 : i32
      %convert_element_type3A_188 = arith.extui %lt3A_187 : i1 to i32
      %cond3A_189 = arith.constant 0 : i32
      %cond3A_190 = arith.cmpi ne, %convert_element_type3A_188, %cond3A_189 : i32
      scf.if %cond3A_190 {
        %dma_wait3A_235 = arith.constant 0 : i32
        %dma_wait3A_236 = arith.constant 0 : i32
        %dma_wait3A_237 = tpu.memref_slice %arg8[%dma_wait3A_235, %dma_wait3A_236] : memref<160x125xi32, #tpu.memory_space<vmem>> -> memref<1x125xi32, #tpu.memory_space<vmem>>
        %dma_wait3A_238 = tpu.memref_squeeze %dma_wait3A_237 : memref<1x125xi32, #tpu.memory_space<vmem>> -> memref<125xi32, #tpu.memory_space<vmem>>
        %dma_wait3A_239 = arith.constant 0 : i32
        %dma_wait3A_240 = arith.constant 0 : i32
        %dma_wait3A_241 = tpu.memref_slice %arg21[%dma_wait3A_239, %dma_wait3A_240] : memref<10000x64xf32, #tpu.memory_space<vmem_shared>> -> memref<10000x64xf32, #tpu.memory_space<vmem_shared>>
        tpu.wait_indirect_dma semaphore(%arg20 : memref<!tpu.dma_semaphore, #tpu.memory_space<semaphore_mem>>) src(%arg12 : memref<125x64xf32, #tpu.memory_space<vmem>>) dst(%dma_wait3A_241 : memref<10000x64xf32, #tpu.memory_space<vmem_shared>>)
        %add3A_242 = arith.constant 2 : i32
        %add3A_243 = arith.addi %add3A_170, %add3A_242 : i32
        %dma_start3A_244 = arith.constant 0 : i32
        %dma_start3A_245 = tpu.memref_slice %arg7[%add3A_243, %dma_start3A_244] : memref<160x125xi32, #tpu.memory_space<vmem>> -> memref<1x125xi32, #tpu.memory_space<vmem>>
        %dma_start3A_246 = tpu.memref_squeeze %dma_start3A_245 : memref<1x125xi32, #tpu.memory_space<vmem>> -> memref<125xi32, #tpu.memory_space<vmem>>
        %dma_start3A_247 = arith.constant 0 : i32
        %dma_start3A_248 = arith.constant 0 : i32
        %dma_start3A_249 = tpu.memref_slice %arg2[%dma_start3A_247, %dma_start3A_248] : memref<20000x64xf32, #tpu.memory_space<hbm>> -> memref<20000x64xf32, #tpu.memory_space<hbm>>
        tpu.enqueue_indirect_dma source(%dma_start3A_249 : memref<20000x64xf32, #tpu.memory_space<hbm>>) target(%arg12 : memref<125x64xf32, #tpu.memory_space<vmem>>) offsets(%dma_start3A_246 : memref<125xi32, #tpu.memory_space<vmem>>) semaphore(%arg16 : memref<!tpu.dma_semaphore, #tpu.memory_space<semaphore_mem>>)
      } else {
      }
      %add3A_191 = arith.constant 2 : i32
      %add3A_192 = arith.addi %mul3A_150, %add3A_191 : i32
      %dma_wait3A_193 = arith.constant 0 : i32
      %dma_wait3A_194 = arith.constant 0 : i32
      %dma_wait3A_195 = tpu.memref_slice %arg7[%dma_wait3A_193, %dma_wait3A_194] : memref<160x125xi32, #tpu.memory_space<vmem>> -> memref<1x125xi32, #tpu.memory_space<vmem>>
      %dma_wait3A_196 = tpu.memref_squeeze %dma_wait3A_195 : memref<1x125xi32, #tpu.memory_space<vmem>> -> memref<125xi32, #tpu.memory_space<vmem>>
      %dma_wait3A_197 = arith.constant 0 : i32
      %dma_wait3A_198 = arith.constant 0 : i32
      %dma_wait3A_199 = tpu.memref_slice %arg2[%dma_wait3A_197, %dma_wait3A_198] : memref<20000x64xf32, #tpu.memory_space<hbm>> -> memref<20000x64xf32, #tpu.memory_space<hbm>>
      tpu.wait_indirect_dma semaphore(%arg15 : memref<!tpu.dma_semaphore, #tpu.memory_space<semaphore_mem>>) src(%dma_wait3A_199 : memref<20000x64xf32, #tpu.memory_space<hbm>>) dst(%arg11 : memref<125x64xf32, #tpu.memory_space<vmem>>)
      %dma_start3A_200 = arith.constant 0 : i32
      %dma_start3A_201 = tpu.memref_slice %arg8[%add3A_192, %dma_start3A_200] : memref<160x125xi32, #tpu.memory_space<vmem>> -> memref<1x125xi32, #tpu.memory_space<vmem>>
      %dma_start3A_202 = tpu.memref_squeeze %dma_start3A_201 : memref<1x125xi32, #tpu.memory_space<vmem>> -> memref<125xi32, #tpu.memory_space<vmem>>
      %dma_start3A_203 = arith.constant 0 : i32
      %dma_start3A_204 = arith.constant 0 : i32
      %dma_start3A_205 = tpu.memref_slice %arg21[%dma_start3A_203, %dma_start3A_204] : memref<10000x64xf32, #tpu.memory_space<vmem_shared>> -> memref<10000x64xf32, #tpu.memory_space<vmem_shared>>
      tpu.enqueue_indirect_dma source(%arg11 : memref<125x64xf32, #tpu.memory_space<vmem>>) target(%dma_start3A_205 : memref<10000x64xf32, #tpu.memory_space<vmem_shared>>) offsets(%dma_start3A_202 : memref<125xi32, #tpu.memory_space<vmem>>) semaphore(%arg19 : memref<!tpu.dma_semaphore, #tpu.memory_space<semaphore_mem>>) {add = true}
      %add3A_206 = arith.constant 2 : i32
      %add3A_207 = arith.addi %add3A_192, %add3A_206 : i32
      %lt3A_208 = arith.constant 160 : i32
      %lt3A_209 = arith.cmpi slt, %add3A_207, %lt3A_208 : i32
      %convert_element_type3A_210 = arith.extui %lt3A_209 : i1 to i32
      %cond3A_211 = arith.constant 0 : i32
      %cond3A_212 = arith.cmpi ne, %convert_element_type3A_210, %cond3A_211 : i32
      scf.if %cond3A_212 {
        %dma_wait3A_235 = arith.constant 0 : i32
        %dma_wait3A_236 = arith.constant 0 : i32
        %dma_wait3A_237 = tpu.memref_slice %arg8[%dma_wait3A_235, %dma_wait3A_236] : memref<160x125xi32, #tpu.memory_space<vmem>> -> memref<1x125xi32, #tpu.memory_space<vmem>>
        %dma_wait3A_238 = tpu.memref_squeeze %dma_wait3A_237 : memref<1x125xi32, #tpu.memory_space<vmem>> -> memref<125xi32, #tpu.memory_space<vmem>>
        %dma_wait3A_239 = arith.constant 0 : i32
        %dma_wait3A_240 = arith.constant 0 : i32
        %dma_wait3A_241 = tpu.memref_slice %arg21[%dma_wait3A_239, %dma_wait3A_240] : memref<10000x64xf32, #tpu.memory_space<vmem_shared>> -> memref<10000x64xf32, #tpu.memory_space<vmem_shared>>
        tpu.wait_indirect_dma semaphore(%arg17 : memref<!tpu.dma_semaphore, #tpu.memory_space<semaphore_mem>>) src(%arg9 : memref<125x64xf32, #tpu.memory_space<vmem>>) dst(%dma_wait3A_241 : memref<10000x64xf32, #tpu.memory_space<vmem_shared>>)
        %add3A_242 = arith.constant 2 : i32
        %add3A_243 = arith.addi %add3A_192, %add3A_242 : i32
        %dma_start3A_244 = arith.constant 0 : i32
        %dma_start3A_245 = tpu.memref_slice %arg7[%add3A_243, %dma_start3A_244] : memref<160x125xi32, #tpu.memory_space<vmem>> -> memref<1x125xi32, #tpu.memory_space<vmem>>
        %dma_start3A_246 = tpu.memref_squeeze %dma_start3A_245 : memref<1x125xi32, #tpu.memory_space<vmem>> -> memref<125xi32, #tpu.memory_space<vmem>>
        %dma_start3A_247 = arith.constant 0 : i32
        %dma_start3A_248 = arith.constant 0 : i32
        %dma_start3A_249 = tpu.memref_slice %arg2[%dma_start3A_247, %dma_start3A_248] : memref<20000x64xf32, #tpu.memory_space<hbm>> -> memref<20000x64xf32, #tpu.memory_space<hbm>>
        tpu.enqueue_indirect_dma source(%dma_start3A_249 : memref<20000x64xf32, #tpu.memory_space<hbm>>) target(%arg9 : memref<125x64xf32, #tpu.memory_space<vmem>>) offsets(%dma_start3A_246 : memref<125xi32, #tpu.memory_space<vmem>>) semaphore(%arg13 : memref<!tpu.dma_semaphore, #tpu.memory_space<semaphore_mem>>)
      } else {
      }
      %add3A_213 = arith.constant 3 : i32
      %add3A_214 = arith.addi %mul3A_150, %add3A_213 : i32
      %dma_wait3A_215 = arith.constant 0 : i32
      %dma_wait3A_216 = arith.constant 0 : i32
      %dma_wait3A_217 = tpu.memref_slice %arg7[%dma_wait3A_215, %dma_wait3A_216] : memref<160x125xi32, #tpu.memory_space<vmem>> -> memref<1x125xi32, #tpu.memory_space<vmem>>
      %dma_wait3A_218 = tpu.memref_squeeze %dma_wait3A_217 : memref<1x125xi32, #tpu.memory_space<vmem>> -> memref<125xi32, #tpu.memory_space<vmem>>
      %dma_wait3A_219 = arith.constant 0 : i32
      %dma_wait3A_220 = arith.constant 0 : i32
      %dma_wait3A_221 = tpu.memref_slice %arg2[%dma_wait3A_219, %dma_wait3A_220] : memref<20000x64xf32, #tpu.memory_space<hbm>> -> memref<20000x64xf32, #tpu.memory_space<hbm>>
      tpu.wait_indirect_dma semaphore(%arg16 : memref<!tpu.dma_semaphore, #tpu.memory_space<semaphore_mem>>) src(%dma_wait3A_221 : memref<20000x64xf32, #tpu.memory_space<hbm>>) dst(%arg12 : memref<125x64xf32, #tpu.memory_space<vmem>>)
      %dma_start3A_222 = arith.constant 0 : i32
      %dma_start3A_223 = tpu.memref_slice %arg8[%add3A_214, %dma_start3A_222] : memref<160x125xi32, #tpu.memory_space<vmem>> -> memref<1x125xi32, #tpu.memory_space<vmem>>
      %dma_start3A_224 = tpu.memref_squeeze %dma_start3A_223 : memref<1x125xi32, #tpu.memory_space<vmem>> -> memref<125xi32, #tpu.memory_space<vmem>>
      %dma_start3A_225 = arith.constant 0 : i32
      %dma_start3A_226 = arith.constant 0 : i32
      %dma_start3A_227 = tpu.memref_slice %arg21[%dma_start3A_225, %dma_start3A_226] : memref<10000x64xf32, #tpu.memory_space<vmem_shared>> -> memref<10000x64xf32, #tpu.memory_space<vmem_shared>>
      tpu.enqueue_indirect_dma source(%arg12 : memref<125x64xf32, #tpu.memory_space<vmem>>) target(%dma_start3A_227 : memref<10000x64xf32, #tpu.memory_space<vmem_shared>>) offsets(%dma_start3A_224 : memref<125xi32, #tpu.memory_space<vmem>>) semaphore(%arg20 : memref<!tpu.dma_semaphore, #tpu.memory_space<semaphore_mem>>) {add = true}
      %add3A_228 = arith.constant 2 : i32
      %add3A_229 = arith.addi %add3A_214, %add3A_228 : i32
      %lt3A_230 = arith.constant 160 : i32
      %lt3A_231 = arith.cmpi slt, %add3A_229, %lt3A_230 : i32
      %convert_element_type3A_232 = arith.extui %lt3A_231 : i1 to i32
      %cond3A_233 = arith.constant 0 : i32
      %cond3A_234 = arith.cmpi ne, %convert_element_type3A_232, %cond3A_233 : i32
      scf.if %cond3A_234 {
        %dma_wait3A_235 = arith.constant 0 : i32
        %dma_wait3A_236 = arith.constant 0 : i32
        %dma_wait3A_237 = tpu.memref_slice %arg8[%dma_wait3A_235, %dma_wait3A_236] : memref<160x125xi32, #tpu.memory_space<vmem>> -> memref<1x125xi32, #tpu.memory_space<vmem>>
        %dma_wait3A_238 = tpu.memref_squeeze %dma_wait3A_237 : memref<1x125xi32, #tpu.memory_space<vmem>> -> memref<125xi32, #tpu.memory_space<vmem>>
        %dma_wait3A_239 = arith.constant 0 : i32
        %dma_wait3A_240 = arith.constant 0 : i32
        %dma_wait3A_241 = tpu.memref_slice %arg21[%dma_wait3A_239, %dma_wait3A_240] : memref<10000x64xf32, #tpu.memory_space<vmem_shared>> -> memref<10000x64xf32, #tpu.memory_space<vmem_shared>>
        tpu.wait_indirect_dma semaphore(%arg18 : memref<!tpu.dma_semaphore, #tpu.memory_space<semaphore_mem>>) src(%arg10 : memref<125x64xf32, #tpu.memory_space<vmem>>) dst(%dma_wait3A_241 : memref<10000x64xf32, #tpu.memory_space<vmem_shared>>)
        %add3A_242 = arith.constant 2 : i32
        %add3A_243 = arith.addi %add3A_214, %add3A_242 : i32
        %dma_start3A_244 = arith.constant 0 : i32
        %dma_start3A_245 = tpu.memref_slice %arg7[%add3A_243, %dma_start3A_244] : memref<160x125xi32, #tpu.memory_space<vmem>> -> memref<1x125xi32, #tpu.memory_space<vmem>>
        %dma_start3A_246 = tpu.memref_squeeze %dma_start3A_245 : memref<1x125xi32, #tpu.memory_space<vmem>> -> memref<125xi32, #tpu.memory_space<vmem>>
        %dma_start3A_247 = arith.constant 0 : i32
        %dma_start3A_248 = arith.constant 0 : i32
        %dma_start3A_249 = tpu.memref_slice %arg2[%dma_start3A_247, %dma_start3A_248] : memref<20000x64xf32, #tpu.memory_space<hbm>> -> memref<20000x64xf32, #tpu.memory_space<hbm>>
        tpu.enqueue_indirect_dma source(%dma_start3A_249 : memref<20000x64xf32, #tpu.memory_space<hbm>>) target(%arg10 : memref<125x64xf32, #tpu.memory_space<vmem>>) offsets(%dma_start3A_246 : memref<125xi32, #tpu.memory_space<vmem>>) semaphore(%arg14 : memref<!tpu.dma_semaphore, #tpu.memory_space<semaphore_mem>>)
      } else {
      }
    }
    %scan3A_115 = arith.constant 39 : i32
    %dma_wait3A_116 = arith.constant 0 : i32
    %dma_wait3A_117 = arith.constant 0 : i32
    %dma_wait3A_118 = tpu.memref_slice %arg8[%dma_wait3A_116, %dma_wait3A_117] : memref<160x125xi32, #tpu.memory_space<vmem>> -> memref<1x125xi32, #tpu.memory_space<vmem>>
    %dma_wait3A_119 = tpu.memref_squeeze %dma_wait3A_118 : memref<1x125xi32, #tpu.memory_space<vmem>> -> memref<125xi32, #tpu.memory_space<vmem>>
    %dma_wait3A_120 = arith.constant 0 : i32
    %dma_wait3A_121 = arith.constant 0 : i32
    %dma_wait3A_122 = tpu.memref_slice %arg21[%dma_wait3A_120, %dma_wait3A_121] : memref<10000x64xf32, #tpu.memory_space<vmem_shared>> -> memref<10000x64xf32, #tpu.memory_space<vmem_shared>>
    tpu.wait_indirect_dma semaphore(%arg17 : memref<!tpu.dma_semaphore, #tpu.memory_space<semaphore_mem>>) src(%arg9 : memref<125x64xf32, #tpu.memory_space<vmem>>) dst(%dma_wait3A_122 : memref<10000x64xf32, #tpu.memory_space<vmem_shared>>)
    %dma_wait3A_123 = arith.constant 0 : i32
    %dma_wait3A_124 = arith.constant 0 : i32
    %dma_wait3A_125 = tpu.memref_slice %arg8[%dma_wait3A_123, %dma_wait3A_124] : memref<160x125xi32, #tpu.memory_space<vmem>> -> memref<1x125xi32, #tpu.memory_space<vmem>>
    %dma_wait3A_126 = tpu.memref_squeeze %dma_wait3A_125 : memref<1x125xi32, #tpu.memory_space<vmem>> -> memref<125xi32, #tpu.memory_space<vmem>>
    %dma_wait3A_127 = arith.constant 0 : i32
    %dma_wait3A_128 = arith.constant 0 : i32
    %dma_wait3A_129 = tpu.memref_slice %arg21[%dma_wait3A_127, %dma_wait3A_128] : memref<10000x64xf32, #tpu.memory_space<vmem_shared>> -> memref<10000x64xf32, #tpu.memory_space<vmem_shared>>
    tpu.wait_indirect_dma semaphore(%arg18 : memref<!tpu.dma_semaphore, #tpu.memory_space<semaphore_mem>>) src(%arg10 : memref<125x64xf32, #tpu.memory_space<vmem>>) dst(%dma_wait3A_129 : memref<10000x64xf32, #tpu.memory_space<vmem_shared>>)
    %dma_wait3A_130 = arith.constant 0 : i32
    %dma_wait3A_131 = arith.constant 0 : i32
    %dma_wait3A_132 = tpu.memref_slice %arg8[%dma_wait3A_130, %dma_wait3A_131] : memref<160x125xi32, #tpu.memory_space<vmem>> -> memref<1x125xi32, #tpu.memory_space<vmem>>
    %dma_wait3A_133 = tpu.memref_squeeze %dma_wait3A_132 : memref<1x125xi32, #tpu.memory_space<vmem>> -> memref<125xi32, #tpu.memory_space<vmem>>
    %dma_wait3A_134 = arith.constant 0 : i32
    %dma_wait3A_135 = arith.constant 0 : i32
    %dma_wait3A_136 = tpu.memref_slice %arg21[%dma_wait3A_134, %dma_wait3A_135] : memref<10000x64xf32, #tpu.memory_space<vmem_shared>> -> memref<10000x64xf32, #tpu.memory_space<vmem_shared>>
    tpu.wait_indirect_dma semaphore(%arg19 : memref<!tpu.dma_semaphore, #tpu.memory_space<semaphore_mem>>) src(%arg11 : memref<125x64xf32, #tpu.memory_space<vmem>>) dst(%dma_wait3A_136 : memref<10000x64xf32, #tpu.memory_space<vmem_shared>>)
    %dma_wait3A_137 = arith.constant 0 : i32
    %dma_wait3A_138 = arith.constant 0 : i32
    %dma_wait3A_139 = tpu.memref_slice %arg8[%dma_wait3A_137, %dma_wait3A_138] : memref<160x125xi32, #tpu.memory_space<vmem>> -> memref<1x125xi32, #tpu.memory_space<vmem>>
    %dma_wait3A_140 = tpu.memref_squeeze %dma_wait3A_139 : memref<1x125xi32, #tpu.memory_space<vmem>> -> memref<125xi32, #tpu.memory_space<vmem>>
    %dma_wait3A_141 = arith.constant 0 : i32
    %dma_wait3A_142 = arith.constant 0 : i32
    %dma_wait3A_143 = tpu.memref_slice %arg21[%dma_wait3A_141, %dma_wait3A_142] : memref<10000x64xf32, #tpu.memory_space<vmem_shared>> -> memref<10000x64xf32, #tpu.memory_space<vmem_shared>>
    tpu.wait_indirect_dma semaphore(%arg20 : memref<!tpu.dma_semaphore, #tpu.memory_space<semaphore_mem>>) src(%arg12 : memref<125x64xf32, #tpu.memory_space<vmem>>) dst(%dma_wait3A_143 : memref<10000x64xf32, #tpu.memory_space<vmem_shared>>)
    %barrier3A_144 = arith.constant 0 : index
    tpu.barrier barrier_id(%barrier3A_144)
    %mul3A_145 = arith.constant 625 : i32
    %mul3A_146 = arith.muli %arg1, %mul3A_145 : i32
    %run_scoped3A_147 = arith.constant 0 : i32
    "tpu.region"() ({
      %run_scoped3A_148 = tpu.sem_alloc : memref<!tpu.dma_semaphore, #tpu.memory_space<semaphore_mem>>
      %dma_start3A_149 = arith.constant 0 : i32
      %dma_start3A_150 = arith.constant 0 : i32
      %dma_start3A_151 = tpu.memref_slice %arg6[%arg0, %run_scoped3A_147, %arg1, %dma_start3A_149, %dma_start3A_150] : memref<2x1x16x625x64xf32, #tpu.memory_space<hbm>> -> memref<1x1x1x625x64xf32, #tpu.memory_space<hbm>>
      %dma_start3A_152 = tpu.memref_squeeze %dma_start3A_151 : memref<1x1x1x625x64xf32, #tpu.memory_space<hbm>> -> memref<625x64xf32, #tpu.memory_space<hbm>>
      %dma_start3A_153 = arith.constant 0 : i32
      %dma_start3A_154 = tpu.memref_slice %arg21[%mul3A_146, %dma_start3A_153] : memref<10000x64xf32, #tpu.memory_space<vmem_shared>> -> memref<625x64xf32, #tpu.memory_space<vmem_shared>>
      tpu.enqueue_dma source(%dma_start3A_154 : memref<625x64xf32, #tpu.memory_space<vmem_shared>>) target(%dma_start3A_152 : memref<625x64xf32, #tpu.memory_space<hbm>>) target_semaphore(%run_scoped3A_148 : memref<!tpu.dma_semaphore, #tpu.memory_space<semaphore_mem>>)
      %dma_wait3A_155 = arith.constant 0 : i32
      %dma_wait3A_156 = arith.constant 0 : i32
      %dma_wait3A_157 = tpu.memref_slice %arg6[%arg0, %run_scoped3A_147, %arg1, %dma_wait3A_155, %dma_wait3A_156] : memref<2x1x16x625x64xf32, #tpu.memory_space<hbm>> -> memref<1x1x1x625x64xf32, #tpu.memory_space<hbm>>
      %dma_wait3A_158 = tpu.memref_squeeze %dma_wait3A_157 : memref<1x1x1x625x64xf32, #tpu.memory_space<hbm>> -> memref<625x64xf32, #tpu.memory_space<hbm>>
      %dma_wait3A_159 = arith.constant 0 : i32
      %dma_wait3A_160 = tpu.memref_slice %arg21[%mul3A_146, %dma_wait3A_159] : memref<10000x64xf32, #tpu.memory_space<vmem_shared>> -> memref<625x64xf32, #tpu.memory_space<vmem_shared>>
      tpu.wait_dma2 semaphore(%run_scoped3A_148 : memref<!tpu.dma_semaphore, #tpu.memory_space<semaphore_mem>>) src(%dma_wait3A_160 : memref<625x64xf32, #tpu.memory_space<vmem_shared>>) dst(%dma_wait3A_158 : memref<625x64xf32, #tpu.memory_space<hbm>>)
      tpu.yield
    }) : () -> ()
    return
  }
}

#map = affine_map<(d0, d1) -> (0, 0)>
#map1 = affine_map<(d0, d1) -> (0, 0, 0, 0, 0)>
#map2 = affine_map<(d0, d1) -> (0, 0, 0)>
module attributes {stable_mosaic.version = 14 : i64} {
  func.func @k(%arg0: i32, %arg1: i32, %arg2: memref<20000x64xf32, #tpu.memory_space<hbm>>, %arg3: memref<2x1x16x160x125xi32, #tpu.memory_space<hbm>>, %arg4: memref<16x160x125xi32, #tpu.memory_space<hbm>>, %arg5: memref<16x625x64xf32, #tpu.memory_space<hbm>>, %arg6: memref<2x1x16x625x64xf32, #tpu.memory_space<hbm>>, %arg7: memref<160x125xi32, #tpu.memory_space<vmem>>, %arg8: memref<160x125xi32, #tpu.memory_space<vmem>>, %arg9: memref<125x64xf32, #tpu.memory_space<vmem>>, %arg10: memref<125x64xf32, #tpu.memory_space<vmem>>, %arg11: memref<125x64xf32, #tpu.memory_space<vmem>>, %arg12: memref<125x64xf32, #tpu.memory_space<vmem>>, %arg13: memref<!tpu.dma_semaphore, #tpu.memory_space<semaphore_mem>>, %arg14: memref<!tpu.dma_semaphore, #tpu.memory_space<semaphore_mem>>, %arg15: memref<!tpu.dma_semaphore, #tpu.memory_space<semaphore_mem>>, %arg16: memref<!tpu.dma_semaphore, #tpu.memory_space<semaphore_mem>>, %arg17: memref<!tpu.dma_semaphore, #tpu.memory_space<semaphore_mem>>, %arg18: memref<!tpu.dma_semaphore, #tpu.memory_space<semaphore_mem>>, %arg19: memref<!tpu.dma_semaphore, #tpu.memory_space<semaphore_mem>>, %arg20: memref<!tpu.dma_semaphore, #tpu.memory_space<semaphore_mem>>, %arg21: memref<10000x64xf32, #tpu.memory_space<vmem_shared>>) attributes {dimension_semantics = [#tpu.dimension_semantics<core_parallel>, #tpu.dimension_semantics<subcore_parallel>], iteration_bounds = array<i64: 2, 16>, scalar_prefetch = 0 : i64, scratch_operands = 15 : i64, tpu.core_type = #tpu.core_type<sc_vector_subcore>, window_params = [{transform_indices = #map}, {transform_indices = #map1}, {transform_indices = #map2}, {transform_indices = #map2}, {transform_indices = #map1}]} {
    "tpu.region"() ({
      %run_scoped3A_148 = tpu.sem_alloc : memref<!tpu.dma_semaphore, #tpu.memory_space<semaphore_mem>>
      %dma_start3A_149 = arith.constant 0 : i32
      %dma_start3A_150 = arith.constant 0 : i32
      %dma_start3A_151 = tpu.memref_slice %arg4[%arg1, %dma_start3A_149, %dma_start3A_150] : memref<16x160x125xi32, #tpu.memory_space<hbm>> -> memref<1x160x125xi32, #tpu.memory_space<hbm>>
      %dma_start3A_152 = tpu.memref_squeeze %dma_start3A_151 : memref<1x160x125xi32, #tpu.memory_space<hbm>> -> memref<160x125xi32, #tpu.memory_space<hbm>>
      %dma_start3A_153 = arith.constant 0 : i32
      %dma_start3A_154 = arith.constant 0 : i32
      %dma_start3A_155 = tpu.memref_slice %arg4[%arg1, %dma_start3A_153, %dma_start3A_154] : memref<16x160x125xi32, #tpu.memory_space<hbm>> -> memref<1x160x125xi32, #tpu.memory_space<hbm>>
      %dma_start3A_156 = tpu.memref_squeeze %dma_start3A_155 : memref<1x160x125xi32, #tpu.memory_space<hbm>> -> memref<160x125xi32, #tpu.memory_space<hbm>>
      tpu.enqueue_dma source(%dma_start3A_156 : memref<160x125xi32, #tpu.memory_space<hbm>>) target(%arg8 : memref<160x125xi32, #tpu.memory_space<vmem>>) target_semaphore(%run_scoped3A_148 : memref<!tpu.dma_semaphore, #tpu.memory_space<semaphore_mem>>)
      %dma_wait3A_157 = arith.constant 0 : i32
      %dma_wait3A_158 = arith.constant 0 : i32
      %dma_wait3A_159 = tpu.memref_slice %arg4[%arg1, %dma_wait3A_157, %dma_wait3A_158] : memref<16x160x125xi32, #tpu.memory_space<hbm>> -> memref<1x160x125xi32, #tpu.memory_space<hbm>>
      %dma_wait3A_160 = tpu.memref_squeeze %dma_wait3A_159 : memref<1x160x125xi32, #tpu.memory_space<hbm>> -> memref<160x125xi32, #tpu.memory_space<hbm>>
      %dma_wait3A_161 = arith.constant 0 : i32
      %dma_wait3A_162 = arith.constant 0 : i32
      %dma_wait3A_163 = tpu.memref_slice %arg4[%arg1, %dma_wait3A_161, %dma_wait3A_162] : memref<16x160x125xi32, #tpu.memory_space<hbm>> -> memref<1x160x125xi32, #tpu.memory_space<hbm>>
      %dma_wait3A_164 = tpu.memref_squeeze %dma_wait3A_163 : memref<1x160x125xi32, #tpu.memory_space<hbm>> -> memref<160x125xi32, #tpu.memory_space<hbm>>
      tpu.wait_dma2 semaphore(%run_scoped3A_148 : memref<!tpu.dma_semaphore, #tpu.memory_space<semaphore_mem>>) src(%dma_wait3A_164 : memref<160x125xi32, #tpu.memory_space<hbm>>) dst(%arg8 : memref<160x125xi32, #tpu.memory_space<vmem>>)
      tpu.yield
    }) : () -> ()
    %run_scoped3A = arith.constant 0 : i32
    "tpu.region"() ({
      %run_scoped3A_148 = tpu.sem_alloc : memref<!tpu.dma_semaphore, #tpu.memory_space<semaphore_mem>>
      %dma_start3A_149 = arith.constant 0 : i32
      %dma_start3A_150 = arith.constant 0 : i32
      %dma_start3A_151 = tpu.memref_slice %arg3[%arg0, %run_scoped3A, %arg1, %dma_start3A_149, %dma_start3A_150] : memref<2x1x16x160x125xi32, #tpu.memory_space<hbm>> -> memref<1x1x1x160x125xi32, #tpu.memory_space<hbm>>
      %dma_start3A_152 = tpu.memref_squeeze %dma_start3A_151 : memref<1x1x1x160x125xi32, #tpu.memory_space<hbm>> -> memref<160x125xi32, #tpu.memory_space<hbm>>
      %dma_start3A_153 = arith.constant 0 : i32
      %dma_start3A_154 = arith.constant 0 : i32
      %dma_start3A_155 = tpu.memref_slice %arg3[%arg0, %run_scoped3A, %arg1, %dma_start3A_153, %dma_start3A_154] : memref<2x1x16x160x125xi32, #tpu.memory_space<hbm>> -> memref<1x1x1x160x125xi32, #tpu.memory_space<hbm>>
      %dma_start3A_156 = tpu.memref_squeeze %dma_start3A_155 : memref<1x1x1x160x125xi32, #tpu.memory_space<hbm>> -> memref<160x125xi32, #tpu.memory_space<hbm>>
      tpu.enqueue_dma source(%dma_start3A_156 : memref<160x125xi32, #tpu.memory_space<hbm>>) target(%arg7 : memref<160x125xi32, #tpu.memory_space<vmem>>) target_semaphore(%run_scoped3A_148 : memref<!tpu.dma_semaphore, #tpu.memory_space<semaphore_mem>>)
      %dma_wait3A_157 = arith.constant 0 : i32
      %dma_wait3A_158 = arith.constant 0 : i32
      %dma_wait3A_159 = tpu.memref_slice %arg3[%arg0, %run_scoped3A, %arg1, %dma_wait3A_157, %dma_wait3A_158] : memref<2x1x16x160x125xi32, #tpu.memory_space<hbm>> -> memref<1x1x1x160x125xi32, #tpu.memory_space<hbm>>
      %dma_wait3A_160 = tpu.memref_squeeze %dma_wait3A_159 : memref<1x1x1x160x125xi32, #tpu.memory_space<hbm>> -> memref<160x125xi32, #tpu.memory_space<hbm>>
      %dma_wait3A_161 = arith.constant 0 : i32
      %dma_wait3A_162 = arith.constant 0 : i32
      %dma_wait3A_163 = tpu.memref_slice %arg3[%arg0, %run_scoped3A, %arg1, %dma_wait3A_161, %dma_wait3A_162] : memref<2x1x16x160x125xi32, #tpu.memory_space<hbm>> -> memref<1x1x1x160x125xi32, #tpu.memory_space<hbm>>
      %dma_wait3A_164 = tpu.memref_squeeze %dma_wait3A_163 : memref<1x1x1x160x125xi32, #tpu.memory_space<hbm>> -> memref<160x125xi32, #tpu.memory_space<hbm>>
      tpu.wait_dma2 semaphore(%run_scoped3A_148 : memref<!tpu.dma_semaphore, #tpu.memory_space<semaphore_mem>>) src(%dma_wait3A_164 : memref<160x125xi32, #tpu.memory_space<hbm>>) dst(%arg7 : memref<160x125xi32, #tpu.memory_space<vmem>>)
      tpu.yield
    }) : () -> ()
    %mul3A = arith.constant 625 : i32
    %mul3A_0 = arith.muli %arg1, %mul3A : i32
    "tpu.region"() ({
      %run_scoped3A_148 = tpu.sem_alloc : memref<!tpu.dma_semaphore, #tpu.memory_space<semaphore_mem>>
      %dma_start3A_149 = arith.constant 0 : i32
      %dma_start3A_150 = tpu.memref_slice %arg21[%mul3A_0, %dma_start3A_149] : memref<10000x64xf32, #tpu.memory_space<vmem_shared>> -> memref<625x64xf32, #tpu.memory_space<vmem_shared>>
      %dma_start3A_151 = arith.constant 0 : i32
      %dma_start3A_152 = arith.constant 0 : i32
      %dma_start3A_153 = tpu.memref_slice %arg5[%arg1, %dma_start3A_151, %dma_start3A_152] : memref<16x625x64xf32, #tpu.memory_space<hbm>> -> memref<1x625x64xf32, #tpu.memory_space<hbm>>
      %dma_start3A_154 = tpu.memref_squeeze %dma_start3A_153 : memref<1x625x64xf32, #tpu.memory_space<hbm>> -> memref<625x64xf32, #tpu.memory_space<hbm>>
      tpu.enqueue_dma source(%dma_start3A_154 : memref<625x64xf32, #tpu.memory_space<hbm>>) target(%dma_start3A_150 : memref<625x64xf32, #tpu.memory_space<vmem_shared>>) target_semaphore(%run_scoped3A_148 : memref<!tpu.dma_semaphore, #tpu.memory_space<semaphore_mem>>)
      %dma_wait3A_155 = arith.constant 0 : i32
      %dma_wait3A_156 = tpu.memref_slice %arg21[%mul3A_0, %dma_wait3A_155] : memref<10000x64xf32, #tpu.memory_space<vmem_shared>> -> memref<625x64xf32, #tpu.memory_space<vmem_shared>>
      %dma_wait3A_157 = arith.constant 0 : i32
      %dma_wait3A_158 = arith.constant 0 : i32
      %dma_wait3A_159 = tpu.memref_slice %arg5[%arg1, %dma_wait3A_157, %dma_wait3A_158] : memref<16x625x64xf32, #tpu.memory_space<hbm>> -> memref<1x625x64xf32, #tpu.memory_space<hbm>>
      %dma_wait3A_160 = tpu.memref_squeeze %dma_wait3A_159 : memref<1x625x64xf32, #tpu.memory_space<hbm>> -> memref<625x64xf32, #tpu.memory_space<hbm>>
      tpu.wait_dma2 semaphore(%run_scoped3A_148 : memref<!tpu.dma_semaphore, #tpu.memory_space<semaphore_mem>>) src(%dma_wait3A_160 : memref<625x64xf32, #tpu.memory_space<hbm>>) dst(%dma_wait3A_156 : memref<625x64xf32, #tpu.memory_space<vmem_shared>>)
      tpu.yield
    }) : () -> ()
    %dma_start3A = arith.constant 0 : i32
    %dma_start3A_1 = arith.constant 0 : i32
    %dma_start3A_2 = tpu.memref_slice %arg7[%dma_start3A, %dma_start3A_1] : memref<160x125xi32, #tpu.memory_space<vmem>> -> memref<1x125xi32, #tpu.memory_space<vmem>>
    %dma_start3A_3 = tpu.memref_squeeze %dma_start3A_2 : memref<1x125xi32, #tpu.memory_space<vmem>> -> memref<125xi32, #tpu.memory_space<vmem>>
    %dma_start3A_4 = arith.constant 0 : i32
    %dma_start3A_5 = arith.constant 0 : i32
    %dma_start3A_6 = tpu.memref_slice %arg2[%dma_start3A_4, %dma_start3A_5] : memref<20000x64xf32, #tpu.memory_space<hbm>> -> memref<20000x64xf32, #tpu.memory_space<hbm>>
    tpu.enqueue_indirect_dma source(%dma_start3A_6 : memref<20000x64xf32, #tpu.memory_space<hbm>>) target(%arg9 : memref<125x64xf32, #tpu.memory_space<vmem>>) offsets(%dma_start3A_3 : memref<125xi32, #tpu.memory_space<vmem>>) semaphore(%arg13 : memref<!tpu.dma_semaphore, #tpu.memory_space<semaphore_mem>>)
    %dma_start3A_7 = arith.constant 1 : i32
    %dma_start3A_8 = arith.constant 0 : i32
    %dma_start3A_9 = tpu.memref_slice %arg7[%dma_start3A_7, %dma_start3A_8] : memref<160x125xi32, #tpu.memory_space<vmem>> -> memref<1x125xi32, #tpu.memory_space<vmem>>
    %dma_start3A_10 = tpu.memref_squeeze %dma_start3A_9 : memref<1x125xi32, #tpu.memory_space<vmem>> -> memref<125xi32, #tpu.memory_space<vmem>>
    %dma_start3A_11 = arith.constant 0 : i32
    %dma_start3A_12 = arith.constant 0 : i32
    %dma_start3A_13 = tpu.memref_slice %arg2[%dma_start3A_11, %dma_start3A_12] : memref<20000x64xf32, #tpu.memory_space<hbm>> -> memref<20000x64xf32, #tpu.memory_space<hbm>>
    tpu.enqueue_indirect_dma source(%dma_start3A_13 : memref<20000x64xf32, #tpu.memory_space<hbm>>) target(%arg10 : memref<125x64xf32, #tpu.memory_space<vmem>>) offsets(%dma_start3A_10 : memref<125xi32, #tpu.memory_space<vmem>>) semaphore(%arg14 : memref<!tpu.dma_semaphore, #tpu.memory_space<semaphore_mem>>)
    %barrier3A = arith.constant 0 : index
    tpu.barrier barrier_id(%barrier3A)
    %dma_wait3A = arith.constant 0 : i32
    %dma_wait3A_14 = arith.constant 0 : i32
    %dma_wait3A_15 = tpu.memref_slice %arg7[%dma_wait3A, %dma_wait3A_14] : memref<160x125xi32, #tpu.memory_space<vmem>> -> memref<1x125xi32, #tpu.memory_space<vmem>>
    %dma_wait3A_16 = tpu.memref_squeeze %dma_wait3A_15 : memref<1x125xi32, #tpu.memory_space<vmem>> -> memref<125xi32, #tpu.memory_space<vmem>>
    %dma_wait3A_17 = arith.constant 0 : i32
    %dma_wait3A_18 = arith.constant 0 : i32
    %dma_wait3A_19 = tpu.memref_slice %arg2[%dma_wait3A_17, %dma_wait3A_18] : memref<20000x64xf32, #tpu.memory_space<hbm>> -> memref<20000x64xf32, #tpu.memory_space<hbm>>
    tpu.wait_indirect_dma semaphore(%arg13 : memref<!tpu.dma_semaphore, #tpu.memory_space<semaphore_mem>>) src(%dma_wait3A_19 : memref<20000x64xf32, #tpu.memory_space<hbm>>) dst(%arg9 : memref<125x64xf32, #tpu.memory_space<vmem>>)
    %dma_start3A_20 = arith.constant 0 : i32
    %dma_start3A_21 = arith.constant 0 : i32
    %dma_start3A_22 = tpu.memref_slice %arg8[%dma_start3A_20, %dma_start3A_21] : memref<160x125xi32, #tpu.memory_space<vmem>> -> memref<1x125xi32, #tpu.memory_space<vmem>>
    %dma_start3A_23 = tpu.memref_squeeze %dma_start3A_22 : memref<1x125xi32, #tpu.memory_space<vmem>> -> memref<125xi32, #tpu.memory_space<vmem>>
    %dma_start3A_24 = arith.constant 0 : i32
    %dma_start3A_25 = arith.constant 0 : i32
    %dma_start3A_26 = tpu.memref_slice %arg21[%dma_start3A_24, %dma_start3A_25] : memref<10000x64xf32, #tpu.memory_space<vmem_shared>> -> memref<10000x64xf32, #tpu.memory_space<vmem_shared>>
    tpu.enqueue_indirect_dma source(%arg9 : memref<125x64xf32, #tpu.memory_space<vmem>>) target(%dma_start3A_26 : memref<10000x64xf32, #tpu.memory_space<vmem_shared>>) offsets(%dma_start3A_23 : memref<125xi32, #tpu.memory_space<vmem>>) semaphore(%arg17 : memref<!tpu.dma_semaphore, #tpu.memory_space<semaphore_mem>>) {add = true}
    %dma_start3A_27 = arith.constant 2 : i32
    %dma_start3A_28 = arith.constant 0 : i32
    %dma_start3A_29 = tpu.memref_slice %arg7[%dma_start3A_27, %dma_start3A_28] : memref<160x125xi32, #tpu.memory_space<vmem>> -> memref<1x125xi32, #tpu.memory_space<vmem>>
    %dma_start3A_30 = tpu.memref_squeeze %dma_start3A_29 : memref<1x125xi32, #tpu.memory_space<vmem>> -> memref<125xi32, #tpu.memory_space<vmem>>
    %dma_start3A_31 = arith.constant 0 : i32
    %dma_start3A_32 = arith.constant 0 : i32
    %dma_start3A_33 = tpu.memref_slice %arg2[%dma_start3A_31, %dma_start3A_32] : memref<20000x64xf32, #tpu.memory_space<hbm>> -> memref<20000x64xf32, #tpu.memory_space<hbm>>
    tpu.enqueue_indirect_dma source(%dma_start3A_33 : memref<20000x64xf32, #tpu.memory_space<hbm>>) target(%arg11 : memref<125x64xf32, #tpu.memory_space<vmem>>) offsets(%dma_start3A_30 : memref<125xi32, #tpu.memory_space<vmem>>) semaphore(%arg15 : memref<!tpu.dma_semaphore, #tpu.memory_space<semaphore_mem>>)
    %dma_wait3A_34 = arith.constant 0 : i32
    %dma_wait3A_35 = arith.constant 0 : i32
    %dma_wait3A_36 = tpu.memref_slice %arg7[%dma_wait3A_34, %dma_wait3A_35] : memref<160x125xi32, #tpu.memory_space<vmem>> -> memref<1x125xi32, #tpu.memory_space<vmem>>
    %dma_wait3A_37 = tpu.memref_squeeze %dma_wait3A_36 : memref<1x125xi32, #tpu.memory_space<vmem>> -> memref<125xi32, #tpu.memory_space<vmem>>
    %dma_wait3A_38 = arith.constant 0 : i32
    %dma_wait3A_39 = arith.constant 0 : i32
    %dma_wait3A_40 = tpu.memref_slice %arg2[%dma_wait3A_38, %dma_wait3A_39] : memref<20000x64xf32, #tpu.memory_space<hbm>> -> memref<20000x64xf32, #tpu.memory_space<hbm>>
    tpu.wait_indirect_dma semaphore(%arg14 : memref<!tpu.dma_semaphore, #tpu.memory_space<semaphore_mem>>) src(%dma_wait3A_40 : memref<20000x64xf32, #tpu.memory_space<hbm>>) dst(%arg10 : memref<125x64xf32, #tpu.memory_space<vmem>>)
    %dma_start3A_41 = arith.constant 1 : i32
    %dma_start3A_42 = arith.constant 0 : i32
    %dma_start3A_43 = tpu.memref_slice %arg8[%dma_start3A_41, %dma_start3A_42] : memref<160x125xi32, #tpu.memory_space<vmem>> -> memref<1x125xi32, #tpu.memory_space<vmem>>
    %dma_start3A_44 = tpu.memref_squeeze %dma_start3A_43 : memref<1x125xi32, #tpu.memory_space<vmem>> -> memref<125xi32, #tpu.memory_space<vmem>>
    %dma_start3A_45 = arith.constant 0 : i32
    %dma_start3A_46 = arith.constant 0 : i32
    %dma_start3A_47 = tpu.memref_slice %arg21[%dma_start3A_45, %dma_start3A_46] : memref<10000x64xf32, #tpu.memory_space<vmem_shared>> -> memref<10000x64xf32, #tpu.memory_space<vmem_shared>>
    tpu.enqueue_indirect_dma source(%arg10 : memref<125x64xf32, #tpu.memory_space<vmem>>) target(%dma_start3A_47 : memref<10000x64xf32, #tpu.memory_space<vmem_shared>>) offsets(%dma_start3A_44 : memref<125xi32, #tpu.memory_space<vmem>>) semaphore(%arg18 : memref<!tpu.dma_semaphore, #tpu.memory_space<semaphore_mem>>) {add = true}
    %dma_start3A_48 = arith.constant 3 : i32
    %dma_start3A_49 = arith.constant 0 : i32
    %dma_start3A_50 = tpu.memref_slice %arg7[%dma_start3A_48, %dma_start3A_49] : memref<160x125xi32, #tpu.memory_space<vmem>> -> memref<1x125xi32, #tpu.memory_space<vmem>>
    %dma_start3A_51 = tpu.memref_squeeze %dma_start3A_50 : memref<1x125xi32, #tpu.memory_space<vmem>> -> memref<125xi32, #tpu.memory_space<vmem>>
    %dma_start3A_52 = arith.constant 0 : i32
    %dma_start3A_53 = arith.constant 0 : i32
    %dma_start3A_54 = tpu.memref_slice %arg2[%dma_start3A_52, %dma_start3A_53] : memref<20000x64xf32, #tpu.memory_space<hbm>> -> memref<20000x64xf32, #tpu.memory_space<hbm>>
    tpu.enqueue_indirect_dma source(%dma_start3A_54 : memref<20000x64xf32, #tpu.memory_space<hbm>>) target(%arg12 : memref<125x64xf32, #tpu.memory_space<vmem>>) offsets(%dma_start3A_51 : memref<125xi32, #tpu.memory_space<vmem>>) semaphore(%arg16 : memref<!tpu.dma_semaphore, #tpu.memory_space<semaphore_mem>>)
    %dma_wait3A_55 = arith.constant 0 : i32
    %dma_wait3A_56 = arith.constant 0 : i32
    %dma_wait3A_57 = tpu.memref_slice %arg7[%dma_wait3A_55, %dma_wait3A_56] : memref<160x125xi32, #tpu.memory_space<vmem>> -> memref<1x125xi32, #tpu.memory_space<vmem>>
    %dma_wait3A_58 = tpu.memref_squeeze %dma_wait3A_57 : memref<1x125xi32, #tpu.memory_space<vmem>> -> memref<125xi32, #tpu.memory_space<vmem>>
    %dma_wait3A_59 = arith.constant 0 : i32
    %dma_wait3A_60 = arith.constant 0 : i32
    %dma_wait3A_61 = tpu.memref_slice %arg2[%dma_wait3A_59, %dma_wait3A_60] : memref<20000x64xf32, #tpu.memory_space<hbm>> -> memref<20000x64xf32, #tpu.memory_space<hbm>>
    tpu.wait_indirect_dma semaphore(%arg15 : memref<!tpu.dma_semaphore, #tpu.memory_space<semaphore_mem>>) src(%dma_wait3A_61 : memref<20000x64xf32, #tpu.memory_space<hbm>>) dst(%arg11 : memref<125x64xf32, #tpu.memory_space<vmem>>)
    %dma_start3A_62 = arith.constant 2 : i32
    %dma_start3A_63 = arith.constant 0 : i32
    %dma_start3A_64 = tpu.memref_slice %arg8[%dma_start3A_62, %dma_start3A_63] : memref<160x125xi32, #tpu.memory_space<vmem>> -> memref<1x125xi32, #tpu.memory_space<vmem>>
    %dma_start3A_65 = tpu.memref_squeeze %dma_start3A_64 : memref<1x125xi32, #tpu.memory_space<vmem>> -> memref<125xi32, #tpu.memory_space<vmem>>
    %dma_start3A_66 = arith.constant 0 : i32
    %dma_start3A_67 = arith.constant 0 : i32
    %dma_start3A_68 = tpu.memref_slice %arg21[%dma_start3A_66, %dma_start3A_67] : memref<10000x64xf32, #tpu.memory_space<vmem_shared>> -> memref<10000x64xf32, #tpu.memory_space<vmem_shared>>
    tpu.enqueue_indirect_dma source(%arg11 : memref<125x64xf32, #tpu.memory_space<vmem>>) target(%dma_start3A_68 : memref<10000x64xf32, #tpu.memory_space<vmem_shared>>) offsets(%dma_start3A_65 : memref<125xi32, #tpu.memory_space<vmem>>) semaphore(%arg19 : memref<!tpu.dma_semaphore, #tpu.memory_space<semaphore_mem>>) {add = true}
    %dma_wait3A_69 = arith.constant 0 : i32
    %dma_wait3A_70 = arith.constant 0 : i32
    %dma_wait3A_71 = tpu.memref_slice %arg8[%dma_wait3A_69, %dma_wait3A_70] : memref<160x125xi32, #tpu.memory_space<vmem>> -> memref<1x125xi32, #tpu.memory_space<vmem>>
    %dma_wait3A_72 = tpu.memref_squeeze %dma_wait3A_71 : memref<1x125xi32, #tpu.memory_space<vmem>> -> memref<125xi32, #tpu.memory_space<vmem>>
    %dma_wait3A_73 = arith.constant 0 : i32
    %dma_wait3A_74 = arith.constant 0 : i32
    %dma_wait3A_75 = tpu.memref_slice %arg21[%dma_wait3A_73, %dma_wait3A_74] : memref<10000x64xf32, #tpu.memory_space<vmem_shared>> -> memref<10000x64xf32, #tpu.memory_space<vmem_shared>>
    tpu.wait_indirect_dma semaphore(%arg17 : memref<!tpu.dma_semaphore, #tpu.memory_space<semaphore_mem>>) src(%arg9 : memref<125x64xf32, #tpu.memory_space<vmem>>) dst(%dma_wait3A_75 : memref<10000x64xf32, #tpu.memory_space<vmem_shared>>)
    %dma_start3A_76 = arith.constant 4 : i32
    %dma_start3A_77 = arith.constant 0 : i32
    %dma_start3A_78 = tpu.memref_slice %arg7[%dma_start3A_76, %dma_start3A_77] : memref<160x125xi32, #tpu.memory_space<vmem>> -> memref<1x125xi32, #tpu.memory_space<vmem>>
    %dma_start3A_79 = tpu.memref_squeeze %dma_start3A_78 : memref<1x125xi32, #tpu.memory_space<vmem>> -> memref<125xi32, #tpu.memory_space<vmem>>
    %dma_start3A_80 = arith.constant 0 : i32
    %dma_start3A_81 = arith.constant 0 : i32
    %dma_start3A_82 = tpu.memref_slice %arg2[%dma_start3A_80, %dma_start3A_81] : memref<20000x64xf32, #tpu.memory_space<hbm>> -> memref<20000x64xf32, #tpu.memory_space<hbm>>
    tpu.enqueue_indirect_dma source(%dma_start3A_82 : memref<20000x64xf32, #tpu.memory_space<hbm>>) target(%arg9 : memref<125x64xf32, #tpu.memory_space<vmem>>) offsets(%dma_start3A_79 : memref<125xi32, #tpu.memory_space<vmem>>) semaphore(%arg13 : memref<!tpu.dma_semaphore, #tpu.memory_space<semaphore_mem>>)
    %dma_wait3A_83 = arith.constant 0 : i32
    %dma_wait3A_84 = arith.constant 0 : i32
    %dma_wait3A_85 = tpu.memref_slice %arg7[%dma_wait3A_83, %dma_wait3A_84] : memref<160x125xi32, #tpu.memory_space<vmem>> -> memref<1x125xi32, #tpu.memory_space<vmem>>
    %dma_wait3A_86 = tpu.memref_squeeze %dma_wait3A_85 : memref<1x125xi32, #tpu.memory_space<vmem>> -> memref<125xi32, #tpu.memory_space<vmem>>
    %dma_wait3A_87 = arith.constant 0 : i32
    %dma_wait3A_88 = arith.constant 0 : i32
    %dma_wait3A_89 = tpu.memref_slice %arg2[%dma_wait3A_87, %dma_wait3A_88] : memref<20000x64xf32, #tpu.memory_space<hbm>> -> memref<20000x64xf32, #tpu.memory_space<hbm>>
    tpu.wait_indirect_dma semaphore(%arg16 : memref<!tpu.dma_semaphore, #tpu.memory_space<semaphore_mem>>) src(%dma_wait3A_89 : memref<20000x64xf32, #tpu.memory_space<hbm>>) dst(%arg12 : memref<125x64xf32, #tpu.memory_space<vmem>>)
    %dma_start3A_90 = arith.constant 3 : i32
    %dma_start3A_91 = arith.constant 0 : i32
    %dma_start3A_92 = tpu.memref_slice %arg8[%dma_start3A_90, %dma_start3A_91] : memref<160x125xi32, #tpu.memory_space<vmem>> -> memref<1x125xi32, #tpu.memory_space<vmem>>
    %dma_start3A_93 = tpu.memref_squeeze %dma_start3A_92 : memref<1x125xi32, #tpu.memory_space<vmem>> -> memref<125xi32, #tpu.memory_space<vmem>>
    %dma_start3A_94 = arith.constant 0 : i32
    %dma_start3A_95 = arith.constant 0 : i32
    %dma_start3A_96 = tpu.memref_slice %arg21[%dma_start3A_94, %dma_start3A_95] : memref<10000x64xf32, #tpu.memory_space<vmem_shared>> -> memref<10000x64xf32, #tpu.memory_space<vmem_shared>>
    tpu.enqueue_indirect_dma source(%arg12 : memref<125x64xf32, #tpu.memory_space<vmem>>) target(%dma_start3A_96 : memref<10000x64xf32, #tpu.memory_space<vmem_shared>>) offsets(%dma_start3A_93 : memref<125xi32, #tpu.memory_space<vmem>>) semaphore(%arg20 : memref<!tpu.dma_semaphore, #tpu.memory_space<semaphore_mem>>) {add = true}
    %dma_wait3A_97 = arith.constant 0 : i32
    %dma_wait3A_98 = arith.constant 0 : i32
    %dma_wait3A_99 = tpu.memref_slice %arg8[%dma_wait3A_97, %dma_wait3A_98] : memref<160x125xi32, #tpu.memory_space<vmem>> -> memref<1x125xi32, #tpu.memory_space<vmem>>
    %dma_wait3A_100 = tpu.memref_squeeze %dma_wait3A_99 : memref<1x125xi32, #tpu.memory_space<vmem>> -> memref<125xi32, #tpu.memory_space<vmem>>
    %dma_wait3A_101 = arith.constant 0 : i32
    %dma_wait3A_102 = arith.constant 0 : i32
    %dma_wait3A_103 = tpu.memref_slice %arg21[%dma_wait3A_101, %dma_wait3A_102] : memref<10000x64xf32, #tpu.memory_space<vmem_shared>> -> memref<10000x64xf32, #tpu.memory_space<vmem_shared>>
    tpu.wait_indirect_dma semaphore(%arg18 : memref<!tpu.dma_semaphore, #tpu.memory_space<semaphore_mem>>) src(%arg10 : memref<125x64xf32, #tpu.memory_space<vmem>>) dst(%dma_wait3A_103 : memref<10000x64xf32, #tpu.memory_space<vmem_shared>>)
    %dma_start3A_104 = arith.constant 5 : i32
    %dma_start3A_105 = arith.constant 0 : i32
    %dma_start3A_106 = tpu.memref_slice %arg7[%dma_start3A_104, %dma_start3A_105] : memref<160x125xi32, #tpu.memory_space<vmem>> -> memref<1x125xi32, #tpu.memory_space<vmem>>
    %dma_start3A_107 = tpu.memref_squeeze %dma_start3A_106 : memref<1x125xi32, #tpu.memory_space<vmem>> -> memref<125xi32, #tpu.memory_space<vmem>>
    %dma_start3A_108 = arith.constant 0 : i32
    %dma_start3A_109 = arith.constant 0 : i32
    %dma_start3A_110 = tpu.memref_slice %arg2[%dma_start3A_108, %dma_start3A_109] : memref<20000x64xf32, #tpu.memory_space<hbm>> -> memref<20000x64xf32, #tpu.memory_space<hbm>>
    tpu.enqueue_indirect_dma source(%dma_start3A_110 : memref<20000x64xf32, #tpu.memory_space<hbm>>) target(%arg10 : memref<125x64xf32, #tpu.memory_space<vmem>>) offsets(%dma_start3A_107 : memref<125xi32, #tpu.memory_space<vmem>>) semaphore(%arg14 : memref<!tpu.dma_semaphore, #tpu.memory_space<semaphore_mem>>)
    %scan3A = arith.constant 0 : i32
    %scan3A_111 = arith.constant 1 : i32
    %scan3A_112 = arith.constant 39 : i32
    %scan3A_113 = arith.addi %scan3A_111, %scan3A_112 : i32
    %scan3A_114 = arith.constant 1 : i32
    scf.for %scan3A_148 = %scan3A_111 to %scan3A_113 step %scan3A_114  : i32 {
      %mul3A_149 = arith.constant 4 : i32
      %mul3A_150 = arith.muli %mul3A_149, %scan3A_148 : i32
      %add3A = arith.constant 0 : i32
      %add3A_151 = arith.addi %mul3A_150, %add3A : i32
      %dma_wait3A_152 = arith.constant 0 : i32
      %dma_wait3A_153 = arith.constant 0 : i32
      %dma_wait3A_154 = tpu.memref_slice %arg7[%dma_wait3A_152, %dma_wait3A_153] : memref<160x125xi32, #tpu.memory_space<vmem>> -> memref<1x125xi32, #tpu.memory_space<vmem>>
      %dma_wait3A_155 = tpu.memref_squeeze %dma_wait3A_154 : memref<1x125xi32, #tpu.memory_space<vmem>> -> memref<125xi32, #tpu.memory_space<vmem>>
      %dma_wait3A_156 = arith.constant 0 : i32
      %dma_wait3A_157 = arith.constant 0 : i32
      %dma_wait3A_158 = tpu.memref_slice %arg2[%dma_wait3A_156, %dma_wait3A_157] : memref<20000x64xf32, #tpu.memory_space<hbm>> -> memref<20000x64xf32, #tpu.memory_space<hbm>>
      tpu.wait_indirect_dma semaphore(%arg13 : memref<!tpu.dma_semaphore, #tpu.memory_space<semaphore_mem>>) src(%dma_wait3A_158 : memref<20000x64xf32, #tpu.memory_space<hbm>>) dst(%arg9 : memref<125x64xf32, #tpu.memory_space<vmem>>)
      %dma_start3A_159 = arith.constant 0 : i32
      %dma_start3A_160 = tpu.memref_slice %arg8[%add3A_151, %dma_start3A_159] : memref<160x125xi32, #tpu.memory_space<vmem>> -> memref<1x125xi32, #tpu.memory_space<vmem>>
      %dma_start3A_161 = tpu.memref_squeeze %dma_start3A_160 : memref<1x125xi32, #tpu.memory_space<vmem>> -> memref<125xi32, #tpu.memory_space<vmem>>
      %dma_start3A_162 = arith.constant 0 : i32
      %dma_start3A_163 = arith.constant 0 : i32
      %dma_start3A_164 = tpu.memref_slice %arg21[%dma_start3A_162, %dma_start3A_163] : memref<10000x64xf32, #tpu.memory_space<vmem_shared>> -> memref<10000x64xf32, #tpu.memory_space<vmem_shared>>
      tpu.enqueue_indirect_dma source(%arg9 : memref<125x64xf32, #tpu.memory_space<vmem>>) target(%dma_start3A_164 : memref<10000x64xf32, #tpu.memory_space<vmem_shared>>) offsets(%dma_start3A_161 : memref<125xi32, #tpu.memory_space<vmem>>) semaphore(%arg17 : memref<!tpu.dma_semaphore, #tpu.memory_space<semaphore_mem>>) {add = true}
      %add3A_165 = arith.constant 2 : i32
      %add3A_166 = arith.addi %add3A_151, %add3A_165 : i32
      %lt3A = arith.constant 160 : i32
      %lt3A_167 = arith.cmpi slt, %add3A_166, %lt3A : i32
      %convert_element_type3A = arith.extui %lt3A_167 : i1 to i32
      %cond3A = arith.constant 0 : i32
      %cond3A_168 = arith.cmpi ne, %convert_element_type3A, %cond3A : i32
      scf.if %cond3A_168 {
        %dma_wait3A_235 = arith.constant 0 : i32
        %dma_wait3A_236 = arith.constant 0 : i32
        %dma_wait3A_237 = tpu.memref_slice %arg8[%dma_wait3A_235, %dma_wait3A_236] : memref<160x125xi32, #tpu.memory_space<vmem>> -> memref<1x125xi32, #tpu.memory_space<vmem>>
        %dma_wait3A_238 = tpu.memref_squeeze %dma_wait3A_237 : memref<1x125xi32, #tpu.memory_space<vmem>> -> memref<125xi32, #tpu.memory_space<vmem>>
        %dma_wait3A_239 = arith.constant 0 : i32
        %dma_wait3A_240 = arith.constant 0 : i32
        %dma_wait3A_241 = tpu.memref_slice %arg21[%dma_wait3A_239, %dma_wait3A_240] : memref<10000x64xf32, #tpu.memory_space<vmem_shared>> -> memref<10000x64xf32, #tpu.memory_space<vmem_shared>>
        tpu.wait_indirect_dma semaphore(%arg19 : memref<!tpu.dma_semaphore, #tpu.memory_space<semaphore_mem>>) src(%arg11 : memref<125x64xf32, #tpu.memory_space<vmem>>) dst(%dma_wait3A_241 : memref<10000x64xf32, #tpu.memory_space<vmem_shared>>)
        %add3A_242 = arith.constant 2 : i32
        %add3A_243 = arith.addi %add3A_151, %add3A_242 : i32
        %dma_start3A_244 = arith.constant 0 : i32
        %dma_start3A_245 = tpu.memref_slice %arg7[%add3A_243, %dma_start3A_244] : memref<160x125xi32, #tpu.memory_space<vmem>> -> memref<1x125xi32, #tpu.memory_space<vmem>>
        %dma_start3A_246 = tpu.memref_squeeze %dma_start3A_245 : memref<1x125xi32, #tpu.memory_space<vmem>> -> memref<125xi32, #tpu.memory_space<vmem>>
        %dma_start3A_247 = arith.constant 0 : i32
        %dma_start3A_248 = arith.constant 0 : i32
        %dma_start3A_249 = tpu.memref_slice %arg2[%dma_start3A_247, %dma_start3A_248] : memref<20000x64xf32, #tpu.memory_space<hbm>> -> memref<20000x64xf32, #tpu.memory_space<hbm>>
        tpu.enqueue_indirect_dma source(%dma_start3A_249 : memref<20000x64xf32, #tpu.memory_space<hbm>>) target(%arg11 : memref<125x64xf32, #tpu.memory_space<vmem>>) offsets(%dma_start3A_246 : memref<125xi32, #tpu.memory_space<vmem>>) semaphore(%arg15 : memref<!tpu.dma_semaphore, #tpu.memory_space<semaphore_mem>>)
      } else {
      }
      %add3A_169 = arith.constant 1 : i32
      %add3A_170 = arith.addi %mul3A_150, %add3A_169 : i32
      %dma_wait3A_171 = arith.constant 0 : i32
      %dma_wait3A_172 = arith.constant 0 : i32
      %dma_wait3A_173 = tpu.memref_slice %arg7[%dma_wait3A_171, %dma_wait3A_172] : memref<160x125xi32, #tpu.memory_space<vmem>> -> memref<1x125xi32, #tpu.memory_space<vmem>>
      %dma_wait3A_174 = tpu.memref_squeeze %dma_wait3A_173 : memref<1x125xi32, #tpu.memory_space<vmem>> -> memref<125xi32, #tpu.memory_space<vmem>>
      %dma_wait3A_175 = arith.constant 0 : i32
      %dma_wait3A_176 = arith.constant 0 : i32
      %dma_wait3A_177 = tpu.memref_slice %arg2[%dma_wait3A_175, %dma_wait3A_176] : memref<20000x64xf32, #tpu.memory_space<hbm>> -> memref<20000x64xf32, #tpu.memory_space<hbm>>
      tpu.wait_indirect_dma semaphore(%arg14 : memref<!tpu.dma_semaphore, #tpu.memory_space<semaphore_mem>>) src(%dma_wait3A_177 : memref<20000x64xf32, #tpu.memory_space<hbm>>) dst(%arg10 : memref<125x64xf32, #tpu.memory_space<vmem>>)
      %dma_start3A_178 = arith.constant 0 : i32
      %dma_start3A_179 = tpu.memref_slice %arg8[%add3A_170, %dma_start3A_178] : memref<160x125xi32, #tpu.memory_space<vmem>> -> memref<1x125xi32, #tpu.memory_space<vmem>>
      %dma_start3A_180 = tpu.memref_squeeze %dma_start3A_179 : memref<1x125xi32, #tpu.memory_space<vmem>> -> memref<125xi32, #tpu.memory_space<vmem>>
      %dma_start3A_181 = arith.constant 0 : i32
      %dma_start3A_182 = arith.constant 0 : i32
      %dma_start3A_183 = tpu.memref_slice %arg21[%dma_start3A_181, %dma_start3A_182] : memref<10000x64xf32, #tpu.memory_space<vmem_shared>> -> memref<10000x64xf32, #tpu.memory_space<vmem_shared>>
      tpu.enqueue_indirect_dma source(%arg10 : memref<125x64xf32, #tpu.memory_space<vmem>>) target(%dma_start3A_183 : memref<10000x64xf32, #tpu.memory_space<vmem_shared>>) offsets(%dma_start3A_180 : memref<125xi32, #tpu.memory_space<vmem>>) semaphore(%arg18 : memref<!tpu.dma_semaphore, #tpu.memory_space<semaphore_mem>>) {add = true}
      %add3A_184 = arith.constant 2 : i32
      %add3A_185 = arith.addi %add3A_170, %add3A_184 : i32
      %lt3A_186 = arith.constant 160 : i32
      %lt3A_187 = arith.cmpi slt, %add3A_185, %lt3A_186 : i32
      %convert_element_type3A_188 = arith.extui %lt3A_187 : i1 to i32
      %cond3A_189 = arith.constant 0 : i32
      %cond3A_190 = arith.cmpi ne, %convert_element_type3A_188, %cond3A_189 : i32
      scf.if %cond3A_190 {
        %dma_wait3A_235 = arith.constant 0 : i32
        %dma_wait3A_236 = arith.constant 0 : i32
        %dma_wait3A_237 = tpu.memref_slice %arg8[%dma_wait3A_235, %dma_wait3A_236] : memref<160x125xi32, #tpu.memory_space<vmem>> -> memref<1x125xi32, #tpu.memory_space<vmem>>
        %dma_wait3A_238 = tpu.memref_squeeze %dma_wait3A_237 : memref<1x125xi32, #tpu.memory_space<vmem>> -> memref<125xi32, #tpu.memory_space<vmem>>
        %dma_wait3A_239 = arith.constant 0 : i32
        %dma_wait3A_240 = arith.constant 0 : i32
        %dma_wait3A_241 = tpu.memref_slice %arg21[%dma_wait3A_239, %dma_wait3A_240] : memref<10000x64xf32, #tpu.memory_space<vmem_shared>> -> memref<10000x64xf32, #tpu.memory_space<vmem_shared>>
        tpu.wait_indirect_dma semaphore(%arg20 : memref<!tpu.dma_semaphore, #tpu.memory_space<semaphore_mem>>) src(%arg12 : memref<125x64xf32, #tpu.memory_space<vmem>>) dst(%dma_wait3A_241 : memref<10000x64xf32, #tpu.memory_space<vmem_shared>>)
        %add3A_242 = arith.constant 2 : i32
        %add3A_243 = arith.addi %add3A_170, %add3A_242 : i32
        %dma_start3A_244 = arith.constant 0 : i32
        %dma_start3A_245 = tpu.memref_slice %arg7[%add3A_243, %dma_start3A_244] : memref<160x125xi32, #tpu.memory_space<vmem>> -> memref<1x125xi32, #tpu.memory_space<vmem>>
        %dma_start3A_246 = tpu.memref_squeeze %dma_start3A_245 : memref<1x125xi32, #tpu.memory_space<vmem>> -> memref<125xi32, #tpu.memory_space<vmem>>
        %dma_start3A_247 = arith.constant 0 : i32
        %dma_start3A_248 = arith.constant 0 : i32
        %dma_start3A_249 = tpu.memref_slice %arg2[%dma_start3A_247, %dma_start3A_248] : memref<20000x64xf32, #tpu.memory_space<hbm>> -> memref<20000x64xf32, #tpu.memory_space<hbm>>
        tpu.enqueue_indirect_dma source(%dma_start3A_249 : memref<20000x64xf32, #tpu.memory_space<hbm>>) target(%arg12 : memref<125x64xf32, #tpu.memory_space<vmem>>) offsets(%dma_start3A_246 : memref<125xi32, #tpu.memory_space<vmem>>) semaphore(%arg16 : memref<!tpu.dma_semaphore, #tpu.memory_space<semaphore_mem>>)
      } else {
      }
      %add3A_191 = arith.constant 2 : i32
      %add3A_192 = arith.addi %mul3A_150, %add3A_191 : i32
      %dma_wait3A_193 = arith.constant 0 : i32
      %dma_wait3A_194 = arith.constant 0 : i32
      %dma_wait3A_195 = tpu.memref_slice %arg7[%dma_wait3A_193, %dma_wait3A_194] : memref<160x125xi32, #tpu.memory_space<vmem>> -> memref<1x125xi32, #tpu.memory_space<vmem>>
      %dma_wait3A_196 = tpu.memref_squeeze %dma_wait3A_195 : memref<1x125xi32, #tpu.memory_space<vmem>> -> memref<125xi32, #tpu.memory_space<vmem>>
      %dma_wait3A_197 = arith.constant 0 : i32
      %dma_wait3A_198 = arith.constant 0 : i32
      %dma_wait3A_199 = tpu.memref_slice %arg2[%dma_wait3A_197, %dma_wait3A_198] : memref<20000x64xf32, #tpu.memory_space<hbm>> -> memref<20000x64xf32, #tpu.memory_space<hbm>>
      tpu.wait_indirect_dma semaphore(%arg15 : memref<!tpu.dma_semaphore, #tpu.memory_space<semaphore_mem>>) src(%dma_wait3A_199 : memref<20000x64xf32, #tpu.memory_space<hbm>>) dst(%arg11 : memref<125x64xf32, #tpu.memory_space<vmem>>)
      %dma_start3A_200 = arith.constant 0 : i32
      %dma_start3A_201 = tpu.memref_slice %arg8[%add3A_192, %dma_start3A_200] : memref<160x125xi32, #tpu.memory_space<vmem>> -> memref<1x125xi32, #tpu.memory_space<vmem>>
      %dma_start3A_202 = tpu.memref_squeeze %dma_start3A_201 : memref<1x125xi32, #tpu.memory_space<vmem>> -> memref<125xi32, #tpu.memory_space<vmem>>
      %dma_start3A_203 = arith.constant 0 : i32
      %dma_start3A_204 = arith.constant 0 : i32
      %dma_start3A_205 = tpu.memref_slice %arg21[%dma_start3A_203, %dma_start3A_204] : memref<10000x64xf32, #tpu.memory_space<vmem_shared>> -> memref<10000x64xf32, #tpu.memory_space<vmem_shared>>
      tpu.enqueue_indirect_dma source(%arg11 : memref<125x64xf32, #tpu.memory_space<vmem>>) target(%dma_start3A_205 : memref<10000x64xf32, #tpu.memory_space<vmem_shared>>) offsets(%dma_start3A_202 : memref<125xi32, #tpu.memory_space<vmem>>) semaphore(%arg19 : memref<!tpu.dma_semaphore, #tpu.memory_space<semaphore_mem>>) {add = true}
      %add3A_206 = arith.constant 2 : i32
      %add3A_207 = arith.addi %add3A_192, %add3A_206 : i32
      %lt3A_208 = arith.constant 160 : i32
      %lt3A_209 = arith.cmpi slt, %add3A_207, %lt3A_208 : i32
      %convert_element_type3A_210 = arith.extui %lt3A_209 : i1 to i32
      %cond3A_211 = arith.constant 0 : i32
      %cond3A_212 = arith.cmpi ne, %convert_element_type3A_210, %cond3A_211 : i32
      scf.if %cond3A_212 {
        %dma_wait3A_235 = arith.constant 0 : i32
        %dma_wait3A_236 = arith.constant 0 : i32
        %dma_wait3A_237 = tpu.memref_slice %arg8[%dma_wait3A_235, %dma_wait3A_236] : memref<160x125xi32, #tpu.memory_space<vmem>> -> memref<1x125xi32, #tpu.memory_space<vmem>>
        %dma_wait3A_238 = tpu.memref_squeeze %dma_wait3A_237 : memref<1x125xi32, #tpu.memory_space<vmem>> -> memref<125xi32, #tpu.memory_space<vmem>>
        %dma_wait3A_239 = arith.constant 0 : i32
        %dma_wait3A_240 = arith.constant 0 : i32
        %dma_wait3A_241 = tpu.memref_slice %arg21[%dma_wait3A_239, %dma_wait3A_240] : memref<10000x64xf32, #tpu.memory_space<vmem_shared>> -> memref<10000x64xf32, #tpu.memory_space<vmem_shared>>
        tpu.wait_indirect_dma semaphore(%arg17 : memref<!tpu.dma_semaphore, #tpu.memory_space<semaphore_mem>>) src(%arg9 : memref<125x64xf32, #tpu.memory_space<vmem>>) dst(%dma_wait3A_241 : memref<10000x64xf32, #tpu.memory_space<vmem_shared>>)
        %add3A_242 = arith.constant 2 : i32
        %add3A_243 = arith.addi %add3A_192, %add3A_242 : i32
        %dma_start3A_244 = arith.constant 0 : i32
        %dma_start3A_245 = tpu.memref_slice %arg7[%add3A_243, %dma_start3A_244] : memref<160x125xi32, #tpu.memory_space<vmem>> -> memref<1x125xi32, #tpu.memory_space<vmem>>
        %dma_start3A_246 = tpu.memref_squeeze %dma_start3A_245 : memref<1x125xi32, #tpu.memory_space<vmem>> -> memref<125xi32, #tpu.memory_space<vmem>>
        %dma_start3A_247 = arith.constant 0 : i32
        %dma_start3A_248 = arith.constant 0 : i32
        %dma_start3A_249 = tpu.memref_slice %arg2[%dma_start3A_247, %dma_start3A_248] : memref<20000x64xf32, #tpu.memory_space<hbm>> -> memref<20000x64xf32, #tpu.memory_space<hbm>>
        tpu.enqueue_indirect_dma source(%dma_start3A_249 : memref<20000x64xf32, #tpu.memory_space<hbm>>) target(%arg9 : memref<125x64xf32, #tpu.memory_space<vmem>>) offsets(%dma_start3A_246 : memref<125xi32, #tpu.memory_space<vmem>>) semaphore(%arg13 : memref<!tpu.dma_semaphore, #tpu.memory_space<semaphore_mem>>)
      } else {
      }
      %add3A_213 = arith.constant 3 : i32
      %add3A_214 = arith.addi %mul3A_150, %add3A_213 : i32
      %dma_wait3A_215 = arith.constant 0 : i32
      %dma_wait3A_216 = arith.constant 0 : i32
      %dma_wait3A_217 = tpu.memref_slice %arg7[%dma_wait3A_215, %dma_wait3A_216] : memref<160x125xi32, #tpu.memory_space<vmem>> -> memref<1x125xi32, #tpu.memory_space<vmem>>
      %dma_wait3A_218 = tpu.memref_squeeze %dma_wait3A_217 : memref<1x125xi32, #tpu.memory_space<vmem>> -> memref<125xi32, #tpu.memory_space<vmem>>
      %dma_wait3A_219 = arith.constant 0 : i32
      %dma_wait3A_220 = arith.constant 0 : i32
      %dma_wait3A_221 = tpu.memref_slice %arg2[%dma_wait3A_219, %dma_wait3A_220] : memref<20000x64xf32, #tpu.memory_space<hbm>> -> memref<20000x64xf32, #tpu.memory_space<hbm>>
      tpu.wait_indirect_dma semaphore(%arg16 : memref<!tpu.dma_semaphore, #tpu.memory_space<semaphore_mem>>) src(%dma_wait3A_221 : memref<20000x64xf32, #tpu.memory_space<hbm>>) dst(%arg12 : memref<125x64xf32, #tpu.memory_space<vmem>>)
      %dma_start3A_222 = arith.constant 0 : i32
      %dma_start3A_223 = tpu.memref_slice %arg8[%add3A_214, %dma_start3A_222] : memref<160x125xi32, #tpu.memory_space<vmem>> -> memref<1x125xi32, #tpu.memory_space<vmem>>
      %dma_start3A_224 = tpu.memref_squeeze %dma_start3A_223 : memref<1x125xi32, #tpu.memory_space<vmem>> -> memref<125xi32, #tpu.memory_space<vmem>>
      %dma_start3A_225 = arith.constant 0 : i32
      %dma_start3A_226 = arith.constant 0 : i32
      %dma_start3A_227 = tpu.memref_slice %arg21[%dma_start3A_225, %dma_start3A_226] : memref<10000x64xf32, #tpu.memory_space<vmem_shared>> -> memref<10000x64xf32, #tpu.memory_space<vmem_shared>>
      tpu.enqueue_indirect_dma source(%arg12 : memref<125x64xf32, #tpu.memory_space<vmem>>) target(%dma_start3A_227 : memref<10000x64xf32, #tpu.memory_space<vmem_shared>>) offsets(%dma_start3A_224 : memref<125xi32, #tpu.memory_space<vmem>>) semaphore(%arg20 : memref<!tpu.dma_semaphore, #tpu.memory_space<semaphore_mem>>) {add = true}
      %add3A_228 = arith.constant 2 : i32
      %add3A_229 = arith.addi %add3A_214, %add3A_228 : i32
      %lt3A_230 = arith.constant 160 : i32
      %lt3A_231 = arith.cmpi slt, %add3A_229, %lt3A_230 : i32
      %convert_element_type3A_232 = arith.extui %lt3A_231 : i1 to i32
      %cond3A_233 = arith.constant 0 : i32
      %cond3A_234 = arith.cmpi ne, %convert_element_type3A_232, %cond3A_233 : i32
      scf.if %cond3A_234 {
        %dma_wait3A_235 = arith.constant 0 : i32
        %dma_wait3A_236 = arith.constant 0 : i32
        %dma_wait3A_237 = tpu.memref_slice %arg8[%dma_wait3A_235, %dma_wait3A_236] : memref<160x125xi32, #tpu.memory_space<vmem>> -> memref<1x125xi32, #tpu.memory_space<vmem>>
        %dma_wait3A_238 = tpu.memref_squeeze %dma_wait3A_237 : memref<1x125xi32, #tpu.memory_space<vmem>> -> memref<125xi32, #tpu.memory_space<vmem>>
        %dma_wait3A_239 = arith.constant 0 : i32
        %dma_wait3A_240 = arith.constant 0 : i32
        %dma_wait3A_241 = tpu.memref_slice %arg21[%dma_wait3A_239, %dma_wait3A_240] : memref<10000x64xf32, #tpu.memory_space<vmem_shared>> -> memref<10000x64xf32, #tpu.memory_space<vmem_shared>>
        tpu.wait_indirect_dma semaphore(%arg18 : memref<!tpu.dma_semaphore, #tpu.memory_space<semaphore_mem>>) src(%arg10 : memref<125x64xf32, #tpu.memory_space<vmem>>) dst(%dma_wait3A_241 : memref<10000x64xf32, #tpu.memory_space<vmem_shared>>)
        %add3A_242 = arith.constant 2 : i32
        %add3A_243 = arith.addi %add3A_214, %add3A_242 : i32
        %dma_start3A_244 = arith.constant 0 : i32
        %dma_start3A_245 = tpu.memref_slice %arg7[%add3A_243, %dma_start3A_244] : memref<160x125xi32, #tpu.memory_space<vmem>> -> memref<1x125xi32, #tpu.memory_space<vmem>>
        %dma_start3A_246 = tpu.memref_squeeze %dma_start3A_245 : memref<1x125xi32, #tpu.memory_space<vmem>> -> memref<125xi32, #tpu.memory_space<vmem>>
        %dma_start3A_247 = arith.constant 0 : i32
        %dma_start3A_248 = arith.constant 0 : i32
        %dma_start3A_249 = tpu.memref_slice %arg2[%dma_start3A_247, %dma_start3A_248] : memref<20000x64xf32, #tpu.memory_space<hbm>> -> memref<20000x64xf32, #tpu.memory_space<hbm>>
        tpu.enqueue_indirect_dma source(%dma_start3A_249 : memref<20000x64xf32, #tpu.memory_space<hbm>>) target(%arg10 : memref<125x64xf32, #tpu.memory_space<vmem>>) offsets(%dma_start3A_246 : memref<125xi32, #tpu.memory_space<vmem>>) semaphore(%arg14 : memref<!tpu.dma_semaphore, #tpu.memory_space<semaphore_mem>>)
      } else {
      }
    }
    %scan3A_115 = arith.constant 39 : i32
    %dma_wait3A_116 = arith.constant 0 : i32
    %dma_wait3A_117 = arith.constant 0 : i32
    %dma_wait3A_118 = tpu.memref_slice %arg8[%dma_wait3A_116, %dma_wait3A_117] : memref<160x125xi32, #tpu.memory_space<vmem>> -> memref<1x125xi32, #tpu.memory_space<vmem>>
    %dma_wait3A_119 = tpu.memref_squeeze %dma_wait3A_118 : memref<1x125xi32, #tpu.memory_space<vmem>> -> memref<125xi32, #tpu.memory_space<vmem>>
    %dma_wait3A_120 = arith.constant 0 : i32
    %dma_wait3A_121 = arith.constant 0 : i32
    %dma_wait3A_122 = tpu.memref_slice %arg21[%dma_wait3A_120, %dma_wait3A_121] : memref<10000x64xf32, #tpu.memory_space<vmem_shared>> -> memref<10000x64xf32, #tpu.memory_space<vmem_shared>>
    tpu.wait_indirect_dma semaphore(%arg17 : memref<!tpu.dma_semaphore, #tpu.memory_space<semaphore_mem>>) src(%arg9 : memref<125x64xf32, #tpu.memory_space<vmem>>) dst(%dma_wait3A_122 : memref<10000x64xf32, #tpu.memory_space<vmem_shared>>)
    %dma_wait3A_123 = arith.constant 0 : i32
    %dma_wait3A_124 = arith.constant 0 : i32
    %dma_wait3A_125 = tpu.memref_slice %arg8[%dma_wait3A_123, %dma_wait3A_124] : memref<160x125xi32, #tpu.memory_space<vmem>> -> memref<1x125xi32, #tpu.memory_space<vmem>>
    %dma_wait3A_126 = tpu.memref_squeeze %dma_wait3A_125 : memref<1x125xi32, #tpu.memory_space<vmem>> -> memref<125xi32, #tpu.memory_space<vmem>>
    %dma_wait3A_127 = arith.constant 0 : i32
    %dma_wait3A_128 = arith.constant 0 : i32
    %dma_wait3A_129 = tpu.memref_slice %arg21[%dma_wait3A_127, %dma_wait3A_128] : memref<10000x64xf32, #tpu.memory_space<vmem_shared>> -> memref<10000x64xf32, #tpu.memory_space<vmem_shared>>
    tpu.wait_indirect_dma semaphore(%arg18 : memref<!tpu.dma_semaphore, #tpu.memory_space<semaphore_mem>>) src(%arg10 : memref<125x64xf32, #tpu.memory_space<vmem>>) dst(%dma_wait3A_129 : memref<10000x64xf32, #tpu.memory_space<vmem_shared>>)
    %dma_wait3A_130 = arith.constant 0 : i32
    %dma_wait3A_131 = arith.constant 0 : i32
    %dma_wait3A_132 = tpu.memref_slice %arg8[%dma_wait3A_130, %dma_wait3A_131] : memref<160x125xi32, #tpu.memory_space<vmem>> -> memref<1x125xi32, #tpu.memory_space<vmem>>
    %dma_wait3A_133 = tpu.memref_squeeze %dma_wait3A_132 : memref<1x125xi32, #tpu.memory_space<vmem>> -> memref<125xi32, #tpu.memory_space<vmem>>
    %dma_wait3A_134 = arith.constant 0 : i32
    %dma_wait3A_135 = arith.constant 0 : i32
    %dma_wait3A_136 = tpu.memref_slice %arg21[%dma_wait3A_134, %dma_wait3A_135] : memref<10000x64xf32, #tpu.memory_space<vmem_shared>> -> memref<10000x64xf32, #tpu.memory_space<vmem_shared>>
    tpu.wait_indirect_dma semaphore(%arg19 : memref<!tpu.dma_semaphore, #tpu.memory_space<semaphore_mem>>) src(%arg11 : memref<125x64xf32, #tpu.memory_space<vmem>>) dst(%dma_wait3A_136 : memref<10000x64xf32, #tpu.memory_space<vmem_shared>>)
    %dma_wait3A_137 = arith.constant 0 : i32
    %dma_wait3A_138 = arith.constant 0 : i32
    %dma_wait3A_139 = tpu.memref_slice %arg8[%dma_wait3A_137, %dma_wait3A_138] : memref<160x125xi32, #tpu.memory_space<vmem>> -> memref<1x125xi32, #tpu.memory_space<vmem>>
    %dma_wait3A_140 = tpu.memref_squeeze %dma_wait3A_139 : memref<1x125xi32, #tpu.memory_space<vmem>> -> memref<125xi32, #tpu.memory_space<vmem>>
    %dma_wait3A_141 = arith.constant 0 : i32
    %dma_wait3A_142 = arith.constant 0 : i32
    %dma_wait3A_143 = tpu.memref_slice %arg21[%dma_wait3A_141, %dma_wait3A_142] : memref<10000x64xf32, #tpu.memory_space<vmem_shared>> -> memref<10000x64xf32, #tpu.memory_space<vmem_shared>>
    tpu.wait_indirect_dma semaphore(%arg20 : memref<!tpu.dma_semaphore, #tpu.memory_space<semaphore_mem>>) src(%arg12 : memref<125x64xf32, #tpu.memory_space<vmem>>) dst(%dma_wait3A_143 : memref<10000x64xf32, #tpu.memory_space<vmem_shared>>)
    %barrier3A_144 = arith.constant 0 : index
    tpu.barrier barrier_id(%barrier3A_144)
    %mul3A_145 = arith.constant 625 : i32
    %mul3A_146 = arith.muli %arg1, %mul3A_145 : i32
    %run_scoped3A_147 = arith.constant 0 : i32
    "tpu.region"() ({
      %run_scoped3A_148 = tpu.sem_alloc : memref<!tpu.dma_semaphore, #tpu.memory_space<semaphore_mem>>
      %dma_start3A_149 = arith.constant 0 : i32
      %dma_start3A_150 = arith.constant 0 : i32
      %dma_start3A_151 = tpu.memref_slice %arg6[%arg0, %run_scoped3A_147, %arg1, %dma_start3A_149, %dma_start3A_150] : memref<2x1x16x625x64xf32, #tpu.memory_space<hbm>> -> memref<1x1x1x625x64xf32, #tpu.memory_space<hbm>>
      %dma_start3A_152 = tpu.memref_squeeze %dma_start3A_151 : memref<1x1x1x625x64xf32, #tpu.memory_space<hbm>> -> memref<625x64xf32, #tpu.memory_space<hbm>>
      %dma_start3A_153 = arith.constant 0 : i32
      %dma_start3A_154 = tpu.memref_slice %arg21[%mul3A_146, %dma_start3A_153] : memref<10000x64xf32, #tpu.memory_space<vmem_shared>> -> memref<625x64xf32, #tpu.memory_space<vmem_shared>>
      tpu.enqueue_dma source(%dma_start3A_154 : memref<625x64xf32, #tpu.memory_space<vmem_shared>>) target(%dma_start3A_152 : memref<625x64xf32, #tpu.memory_space<hbm>>) target_semaphore(%run_scoped3A_148 : memref<!tpu.dma_semaphore, #tpu.memory_space<semaphore_mem>>)
      %dma_wait3A_155 = arith.constant 0 : i32
      %dma_wait3A_156 = arith.constant 0 : i32
      %dma_wait3A_157 = tpu.memref_slice %arg6[%arg0, %run_scoped3A_147, %arg1, %dma_wait3A_155, %dma_wait3A_156] : memref<2x1x16x625x64xf32, #tpu.memory_space<hbm>> -> memref<1x1x1x625x64xf32, #tpu.memory_space<hbm>>
      %dma_wait3A_158 = tpu.memref_squeeze %dma_wait3A_157 : memref<1x1x1x625x64xf32, #tpu.memory_space<hbm>> -> memref<625x64xf32, #tpu.memory_space<hbm>>
      %dma_wait3A_159 = arith.constant 0 : i32
      %dma_wait3A_160 = tpu.memref_slice %arg21[%mul3A_146, %dma_wait3A_159] : memref<10000x64xf32, #tpu.memory_space<vmem_shared>> -> memref<625x64xf32, #tpu.memory_space<vmem_shared>>
      tpu.wait_dma2 semaphore(%run_scoped3A_148 : memref<!tpu.dma_semaphore, #tpu.memory_space<semaphore_mem>>) src(%dma_wait3A_160 : memref<625x64xf32, #tpu.memory_space<vmem_shared>>) dst(%dma_wait3A_158 : memref<625x64xf32, #tpu.memory_space<hbm>>)
      tpu.yield
    }) : () -> ()
    return
  }
}

module attributes {stable_mosaic.version = 14 : i64} {
  func.func @_t1_body(%arg0: i32, %arg1: memref<2000x128xf32, #tpu.memory_space<vmem>>, %arg2: memref<2x2000x16xf32, #tpu.memory_space<vmem>>, %arg3: memref<2x2000x64xf32, #tpu.memory_space<vmem>>, %arg4: memref<2000x1xf32, #tpu.memory_space<vmem>>) attributes {dimension_semantics = [#tpu.dimension_semantics<arbitrary>], iteration_bounds = array<i64: 5>, scalar_prefetch = 0 : i64, scratch_operands = 0 : i64, tpu.core_type = #tpu.core_type<tc>, window_params = [{transform_indices = @transform_0, window_bounds = array<i64: 2000, 128>}, {transform_indices = @transform_1, window_bounds = array<i64: 2, 2000, 16>}, {transform_indices = @transform_2, window_bounds = array<i64: 2, 2000, 64>}, {transform_indices = @transform_3, window_bounds = array<i64: 2000, 1>}]} {
    %get3A = arith.constant 0 : index
    %get3A_0 = arith.constant 0 : index
    %get3A_1 = arith.constant 0 : index
    %get3A_2 = vector.load %arg2[%get3A, %get3A_0, %get3A_1] : memref<2x2000x16xf32, #tpu.memory_space<vmem>>, vector<1x2000x16xf32>
    %get3A_3 = vector.shape_cast %get3A_2 : vector<1x2000x16xf32> to vector<2000x16xf32>
    %get3A_4 = arith.constant 1 : index
    %get3A_5 = arith.constant 0 : index
    %get3A_6 = arith.constant 0 : index
    %get3A_7 = vector.load %arg2[%get3A_4, %get3A_5, %get3A_6] : memref<2x2000x16xf32, #tpu.memory_space<vmem>>, vector<1x2000x16xf32>
    %get3A_8 = vector.shape_cast %get3A_7 : vector<1x2000x16xf32> to vector<2000x16xf32>
    %add3A = arith.addf %get3A_3, %get3A_8 : vector<2000x16xf32>
    %slice3A = vector.extract_strided_slice %add3A {offsets = [0, 0], sizes = [2000, 1], strides = [1, 1]} : vector<2000x16xf32> to vector<2000x1xf32>
    %add3A_9 = arith.constant 1.000000e+00 : f32
    %add3A_10 = vector.broadcast %add3A_9 : f32 to vector<2000x1xf32>
    %add3A_11 = arith.addf %slice3A, %add3A_10 : vector<2000x1xf32>
    %rsqrt3A = math.rsqrt %add3A_11 : vector<2000x1xf32>
    %get3A_12 = arith.constant 0 : index
    %get3A_13 = arith.constant 0 : index
    %get3A_14 = vector.load %arg1[%get3A_12, %get3A_13] : memref<2000x128xf32, #tpu.memory_space<vmem>>, vector<2000x128xf32>
    %mul3A = vector.broadcast %rsqrt3A : vector<2000x1xf32> to vector<2000x128xf32>
    %mul3A_15 = arith.mulf %get3A_14, %mul3A : vector<2000x128xf32>
    %slice3A_16 = vector.extract_strided_slice %mul3A_15 {offsets = [0, 0], sizes = [2000, 64], strides = [1, 1]} : vector<2000x128xf32> to vector<2000x64xf32>
    %swap3A = arith.constant 0 : index
    %swap3A_17 = arith.constant 0 : index
    %swap3A_18 = arith.constant 0 : index
    %swap3A_19 = vector.load %arg3[%swap3A, %swap3A_17, %swap3A_18] : memref<2x2000x64xf32, #tpu.memory_space<vmem>>, vector<1x2000x64xf32>
    %swap3A_20 = vector.shape_cast %swap3A_19 : vector<1x2000x64xf32> to vector<2000x64xf32>
    %swap3A_21 = vector.shape_cast %slice3A_16 : vector<2000x64xf32> to vector<1x2000x64xf32>
    tpu.vector_store %arg3[%swap3A, %swap3A_17, %swap3A_18], %swap3A_21 {strides = array<i32>} : memref<2x2000x64xf32, #tpu.memory_space<vmem>>, vector<1x2000x64xf32>,
    %slice3A_22 = vector.extract_strided_slice %mul3A_15 {offsets = [0, 64], sizes = [2000, 64], strides = [1, 1]} : vector<2000x128xf32> to vector<2000x64xf32>
    %swap3A_23 = arith.constant 1 : index
    %swap3A_24 = arith.constant 0 : index
    %swap3A_25 = arith.constant 0 : index
    %swap3A_26 = vector.load %arg3[%swap3A_23, %swap3A_24, %swap3A_25] : memref<2x2000x64xf32, #tpu.memory_space<vmem>>, vector<1x2000x64xf32>
    %swap3A_27 = vector.shape_cast %swap3A_26 : vector<1x2000x64xf32> to vector<2000x64xf32>
    %swap3A_28 = vector.shape_cast %slice3A_22 : vector<2000x64xf32> to vector<1x2000x64xf32>
    tpu.vector_store %arg3[%swap3A_23, %swap3A_24, %swap3A_25], %swap3A_28 {strides = array<i32>} : memref<2x2000x64xf32, #tpu.memory_space<vmem>>, vector<1x2000x64xf32>,
    %swap3A_29 = arith.constant 0 : index
    %swap3A_30 = arith.constant 0 : index
    %swap3A_31 = vector.load %arg4[%swap3A_29, %swap3A_30] : memref<2000x1xf32, #tpu.memory_space<vmem>>, vector<2000x1xf32>
    tpu.vector_store %arg4[%swap3A_29, %swap3A_30], %rsqrt3A {strides = array<i32>} : memref<2000x1xf32, #tpu.memory_space<vmem>>, vector<2000x1xf32>,
    return
  }
  func.func @transform_0(%arg0: i32) -> (i32, i32) {
    %c0_i32 = arith.constant 0 : i32
    %c0_i32_0 = arith.constant 0 : i32
    return %arg0, %c0_i32 : i32, i32
  }
  func.func @transform_1(%arg0: i32) -> (i32, i32, i32) {
    %c0_i32 = arith.constant 0 : i32
    %c0_i32_0 = arith.constant 0 : i32
    %c0_i32_1 = arith.constant 0 : i32
    return %c0_i32, %arg0, %c0_i32_0 : i32, i32, i32
  }
  func.func @transform_2(%arg0: i32) -> (i32, i32, i32) {
    %c0_i32 = arith.constant 0 : i32
    %c0_i32_0 = arith.constant 0 : i32
    %c0_i32_1 = arith.constant 0 : i32
    return %c0_i32, %arg0, %c0_i32_0 : i32, i32, i32
  }
  func.func @transform_3(%arg0: i32) -> (i32, i32) {
    %c0_i32 = arith.constant 0 : i32
    %c0_i32_0 = arith.constant 0 : i32
    return %arg0, %c0_i32 : i32, i32
  }
}

module attributes {stable_mosaic.version = 14 : i64} {
  func.func @_t2_body(%arg0: i32, %arg1: memref<2000x64xf32, #tpu.memory_space<vmem>>, %arg2: memref<2000x64xf32, #tpu.memory_space<vmem>>, %arg3: memref<2000x64xf32, #tpu.memory_space<vmem>>, %arg4: memref<2000x64xf32, #tpu.memory_space<vmem>>, %arg5: memref<2000x1xf32, #tpu.memory_space<vmem>>, %arg6: memref<1x256xf32, #tpu.memory_space<vmem>>, %arg7: memref<128x256xf32, #tpu.memory_space<vmem>>, %arg8: memref<256x128xf32, #tpu.memory_space<vmem>>, %arg9: memref<2x2000x64xf32, #tpu.memory_space<vmem>>) attributes {dimension_semantics = [#tpu.dimension_semantics<arbitrary>], iteration_bounds = array<i64: 5>, scalar_prefetch = 0 : i64, scratch_operands = 0 : i64, tpu.core_type = #tpu.core_type<tc>, window_params = [{transform_indices = @transform_0, window_bounds = array<i64: 2000, 64>}, {transform_indices = @transform_1, window_bounds = array<i64: 2000, 64>}, {transform_indices = @transform_2, window_bounds = array<i64: 2000, 64>}, {transform_indices = @transform_3, window_bounds = array<i64: 2000, 64>}, {transform_indices = @transform_4, window_bounds = array<i64: 2000, 1>}, {pipeline_mode = #tpu.pipeline_mode<synchronous>, transform_indices = @transform_5, window_bounds = array<i64: 1, 256>}, {pipeline_mode = #tpu.pipeline_mode<synchronous>, transform_indices = @transform_6, window_bounds = array<i64: 128, 256>}, {pipeline_mode = #tpu.pipeline_mode<synchronous>, transform_indices = @transform_7, window_bounds = array<i64: 256, 128>}, {transform_indices = @transform_8, window_bounds = array<i64: 2, 2000, 64>}]} {
    %get3A = arith.constant 0 : index
    %get3A_0 = arith.constant 0 : index
    %get3A_1 = vector.load %arg5[%get3A, %get3A_0] : memref<2000x1xf32, #tpu.memory_space<vmem>>, vector<2000x1xf32>
    %get3A_2 = arith.constant 0 : index
    %get3A_3 = arith.constant 0 : index
    %get3A_4 = vector.load %arg1[%get3A_2, %get3A_3] : memref<2000x64xf32, #tpu.memory_space<vmem>>, vector<2000x64xf32>
    %get3A_5 = arith.constant 0 : index
    %get3A_6 = arith.constant 0 : index
    %get3A_7 = vector.load %arg3[%get3A_5, %get3A_6] : memref<2000x64xf32, #tpu.memory_space<vmem>>, vector<2000x64xf32>
    %add3A = arith.addf %get3A_4, %get3A_7 : vector<2000x64xf32>
    %get3A_8 = arith.constant 0 : index
    %get3A_9 = arith.constant 0 : index
    %get3A_10 = vector.load %arg2[%get3A_8, %get3A_9] : memref<2000x64xf32, #tpu.memory_space<vmem>>, vector<2000x64xf32>
    %get3A_11 = arith.constant 0 : index
    %get3A_12 = arith.constant 0 : index
    %get3A_13 = vector.load %arg4[%get3A_11, %get3A_12] : memref<2000x64xf32, #tpu.memory_space<vmem>>, vector<2000x64xf32>
    %add3A_14 = arith.addf %get3A_10, %get3A_13 : vector<2000x64xf32>
    %concatenate3A = tpu.concatenate %add3A, %add3A_14 in 1 : vector<2000x64xf32>, vector<2000x64xf32> -> vector<2000x128xf32>
    %mul3A = vector.broadcast %get3A_1 : vector<2000x1xf32> to vector<2000x128xf32>
    %mul3A_15 = arith.mulf %concatenate3A, %mul3A : vector<2000x128xf32>
    %get3A_16 = arith.constant 0 : index
    %get3A_17 = arith.constant 0 : index
    %get3A_18 = vector.load %arg7[%get3A_16, %get3A_17] : memref<128x256xf32, #tpu.memory_space<vmem>>, vector<128x256xf32>
    %dot_general3A = arith.constant dense<0.000000e+00> : vector<2000x256xf32>
    %dot_general3A_19 = tpu.matmul %mul3A_15, %get3A_18, %dot_general3A {dimension_numbers = #tpu.dot_dimension_numbers<[1], [0], [0], [1], [0, 0, 1, 1], [], []>, transpose_lhs_hint = false} : vector<2000x128xf32>, vector<128x256xf32>, vector<2000x256xf32> -> vector<2000x256xf32>
    %get3A_20 = arith.constant 0 : index
    %get3A_21 = arith.constant 0 : index
    %get3A_22 = vector.load %arg6[%get3A_20, %get3A_21] : memref<1x256xf32, #tpu.memory_space<vmem>>, vector<1x256xf32>
    %add3A_23 = vector.broadcast %get3A_22 : vector<1x256xf32> to vector<2000x256xf32>
    %add3A_24 = arith.addf %dot_general3A_19, %add3A_23 : vector<2000x256xf32>
    %max3A = arith.constant 0.000000e+00 : f32
    %max3A_25 = vector.broadcast %max3A : f32 to vector<2000x256xf32>
    %max3A_26 = arith.maximumf %add3A_24, %max3A_25 : vector<2000x256xf32>
    %get3A_27 = arith.constant 0 : index
    %get3A_28 = arith.constant 0 : index
    %get3A_29 = vector.load %arg8[%get3A_27, %get3A_28] : memref<256x128xf32, #tpu.memory_space<vmem>>, vector<256x128xf32>
    %dot_general3A_30 = arith.constant dense<0.000000e+00> : vector<2000x128xf32>
    %dot_general3A_31 = tpu.matmul %max3A_26, %get3A_29, %dot_general3A_30 {dimension_numbers = #tpu.dot_dimension_numbers<[1], [0], [0], [1], [0, 0, 1, 1], [], []>, transpose_lhs_hint = false} : vector<2000x256xf32>, vector<256x128xf32>, vector<2000x128xf32> -> vector<2000x128xf32>
    %mul3A_32 = vector.broadcast %get3A_1 : vector<2000x1xf32> to vector<2000x128xf32>
    %mul3A_33 = arith.mulf %dot_general3A_31, %mul3A_32 : vector<2000x128xf32>
    %slice3A = vector.extract_strided_slice %mul3A_33 {offsets = [0, 0], sizes = [2000, 64], strides = [1, 1]} : vector<2000x128xf32> to vector<2000x64xf32>
    %swap3A = arith.constant 0 : index
    %swap3A_34 = arith.constant 0 : index
    %swap3A_35 = arith.constant 0 : index
    %swap3A_36 = vector.load %arg9[%swap3A, %swap3A_34, %swap3A_35] : memref<2x2000x64xf32, #tpu.memory_space<vmem>>, vector<1x2000x64xf32>
    %swap3A_37 = vector.shape_cast %swap3A_36 : vector<1x2000x64xf32> to vector<2000x64xf32>
    %swap3A_38 = vector.shape_cast %slice3A : vector<2000x64xf32> to vector<1x2000x64xf32>
    tpu.vector_store %arg9[%swap3A, %swap3A_34, %swap3A_35], %swap3A_38 {strides = array<i32>} : memref<2x2000x64xf32, #tpu.memory_space<vmem>>, vector<1x2000x64xf32>,
    %slice3A_39 = vector.extract_strided_slice %mul3A_33 {offsets = [0, 64], sizes = [2000, 64], strides = [1, 1]} : vector<2000x128xf32> to vector<2000x64xf32>
    %swap3A_40 = arith.constant 1 : index
    %swap3A_41 = arith.constant 0 : index
    %swap3A_42 = arith.constant 0 : index
    %swap3A_43 = vector.load %arg9[%swap3A_40, %swap3A_41, %swap3A_42] : memref<2x2000x64xf32, #tpu.memory_space<vmem>>, vector<1x2000x64xf32>
    %swap3A_44 = vector.shape_cast %swap3A_43 : vector<1x2000x64xf32> to vector<2000x64xf32>
    %swap3A_45 = vector.shape_cast %slice3A_39 : vector<2000x64xf32> to vector<1x2000x64xf32>
    tpu.vector_store %arg9[%swap3A_40, %swap3A_41, %swap3A_42], %swap3A_45 {strides = array<i32>} : memref<2x2000x64xf32, #tpu.memory_space<vmem>>, vector<1x2000x64xf32>,
    return
  }
  func.func @transform_0(%arg0: i32) -> (i32, i32) {
    %c0_i32 = arith.constant 0 : i32
    %c0_i32_0 = arith.constant 0 : i32
    return %arg0, %c0_i32 : i32, i32
  }
  func.func @transform_1(%arg0: i32) -> (i32, i32) {
    %add3A = arith.constant 5 : i32
    %add3A_0 = arith.addi %add3A, %arg0 : i32
    %c0_i32 = arith.constant 0 : i32
    %c0_i32_1 = arith.constant 0 : i32
    return %add3A_0, %c0_i32 : i32, i32
  }
  func.func @transform_2(%arg0: i32) -> (i32, i32) {
    %c0_i32 = arith.constant 0 : i32
    %c0_i32_0 = arith.constant 0 : i32
    return %arg0, %c0_i32 : i32, i32
  }
  func.func @transform_3(%arg0: i32) -> (i32, i32) {
    %add3A = arith.constant 5 : i32
    %add3A_0 = arith.addi %add3A, %arg0 : i32
    %c0_i32 = arith.constant 0 : i32
    %c0_i32_1 = arith.constant 0 : i32
    return %add3A_0, %c0_i32 : i32, i32
  }
  func.func @transform_4(%arg0: i32) -> (i32, i32) {
    %c0_i32 = arith.constant 0 : i32
    %c0_i32_0 = arith.constant 0 : i32
    return %arg0, %c0_i32 : i32, i32
  }
  func.func @transform_5(%arg0: i32) -> (i32, i32) {
    %c0_i32 = arith.constant 0 : i32
    %c0_i32_0 = arith.constant 0 : i32
    %c0_i32_1 = arith.constant 0 : i32
    return %c0_i32, %c0_i32_0 : i32, i32
  }
  func.func @transform_6(%arg0: i32) -> (i32, i32) {
    %c0_i32 = arith.constant 0 : i32
    %c0_i32_0 = arith.constant 0 : i32
    %c0_i32_1 = arith.constant 0 : i32
    return %c0_i32, %c0_i32_0 : i32, i32
  }
  func.func @transform_7(%arg0: i32) -> (i32, i32) {
    %c0_i32 = arith.constant 0 : i32
    %c0_i32_0 = arith.constant 0 : i32
    %c0_i32_1 = arith.constant 0 : i32
    return %c0_i32, %c0_i32_0 : i32, i32
  }
  func.func @transform_8(%arg0: i32) -> (i32, i32, i32) {
    %c0_i32 = arith.constant 0 : i32
    %c0_i32_0 = arith.constant 0 : i32
    %c0_i32_1 = arith.constant 0 : i32
    return %c0_i32, %arg0, %c0_i32_0 : i32, i32, i32
  }
}

module attributes {stable_mosaic.version = 14 : i64} {
  func.func @_t3_body(%arg0: i32, %arg1: memref<2000x64xf32, #tpu.memory_space<vmem>>, %arg2: memref<2000x64xf32, #tpu.memory_space<vmem>>, %arg3: memref<2000x64xf32, #tpu.memory_space<vmem>>, %arg4: memref<2000x64xf32, #tpu.memory_space<vmem>>, %arg5: memref<2000x1xf32, #tpu.memory_space<vmem>>, %arg6: memref<1x128xf32, #tpu.memory_space<vmem>>, %arg7: memref<2000x128xf32, #tpu.memory_space<vmem>>) attributes {dimension_semantics = [#tpu.dimension_semantics<arbitrary>], iteration_bounds = array<i64: 5>, scalar_prefetch = 0 : i64, scratch_operands = 0 : i64, tpu.core_type = #tpu.core_type<tc>, window_params = [{transform_indices = @transform_0, window_bounds = array<i64: 2000, 64>}, {transform_indices = @transform_1, window_bounds = array<i64: 2000, 64>}, {transform_indices = @transform_2, window_bounds = array<i64: 2000, 64>}, {transform_indices = @transform_3, window_bounds = array<i64: 2000, 64>}, {transform_indices = @transform_4, window_bounds = array<i64: 2000, 1>}, {pipeline_mode = #tpu.pipeline_mode<synchronous>, transform_indices = @transform_5, window_bounds = array<i64: 1, 128>}, {transform_indices = @transform_6, window_bounds = array<i64: 2000, 128>}]} {
    %get3A = arith.constant 0 : index
    %get3A_0 = arith.constant 0 : index
    %get3A_1 = vector.load %arg1[%get3A, %get3A_0] : memref<2000x64xf32, #tpu.memory_space<vmem>>, vector<2000x64xf32>
    %get3A_2 = arith.constant 0 : index
    %get3A_3 = arith.constant 0 : index
    %get3A_4 = vector.load %arg3[%get3A_2, %get3A_3] : memref<2000x64xf32, #tpu.memory_space<vmem>>, vector<2000x64xf32>
    %add3A = arith.addf %get3A_1, %get3A_4 : vector<2000x64xf32>
    %get3A_5 = arith.constant 0 : index
    %get3A_6 = arith.constant 0 : index
    %get3A_7 = vector.load %arg2[%get3A_5, %get3A_6] : memref<2000x64xf32, #tpu.memory_space<vmem>>, vector<2000x64xf32>
    %get3A_8 = arith.constant 0 : index
    %get3A_9 = arith.constant 0 : index
    %get3A_10 = vector.load %arg4[%get3A_8, %get3A_9] : memref<2000x64xf32, #tpu.memory_space<vmem>>, vector<2000x64xf32>
    %add3A_11 = arith.addf %get3A_7, %get3A_10 : vector<2000x64xf32>
    %concatenate3A = tpu.concatenate %add3A, %add3A_11 in 1 : vector<2000x64xf32>, vector<2000x64xf32> -> vector<2000x128xf32>
    %get3A_12 = arith.constant 0 : index
    %get3A_13 = arith.constant 0 : index
    %get3A_14 = vector.load %arg5[%get3A_12, %get3A_13] : memref<2000x1xf32, #tpu.memory_space<vmem>>, vector<2000x1xf32>
    %mul3A = vector.broadcast %get3A_14 : vector<2000x1xf32> to vector<2000x128xf32>
    %mul3A_15 = arith.mulf %concatenate3A, %mul3A : vector<2000x128xf32>
    %get3A_16 = arith.constant 0 : index
    %get3A_17 = arith.constant 0 : index
    %get3A_18 = vector.load %arg6[%get3A_16, %get3A_17] : memref<1x128xf32, #tpu.memory_space<vmem>>, vector<1x128xf32>
    %add3A_19 = vector.broadcast %get3A_18 : vector<1x128xf32> to vector<2000x128xf32>
    %add3A_20 = arith.addf %mul3A_15, %add3A_19 : vector<2000x128xf32>
    %swap3A = arith.constant 0 : index
    %swap3A_21 = arith.constant 0 : index
    %swap3A_22 = vector.load %arg7[%swap3A, %swap3A_21] : memref<2000x128xf32, #tpu.memory_space<vmem>>, vector<2000x128xf32>
    tpu.vector_store %arg7[%swap3A, %swap3A_21], %add3A_20 {strides = array<i32>} : memref<2000x128xf32, #tpu.memory_space<vmem>>, vector<2000x128xf32>,
    return
  }
  func.func @transform_0(%arg0: i32) -> (i32, i32) {
    %c0_i32 = arith.constant 0 : i32
    %c0_i32_0 = arith.constant 0 : i32
    return %arg0, %c0_i32 : i32, i32
  }
  func.func @transform_1(%arg0: i32) -> (i32, i32) {
    %add3A = arith.constant 5 : i32
    %add3A_0 = arith.addi %add3A, %arg0 : i32
    %c0_i32 = arith.constant 0 : i32
    %c0_i32_1 = arith.constant 0 : i32
    return %add3A_0, %c0_i32 : i32, i32
  }
  func.func @transform_2(%arg0: i32) -> (i32, i32) {
    %c0_i32 = arith.constant 0 : i32
    %c0_i32_0 = arith.constant 0 : i32
    return %arg0, %c0_i32 : i32, i32
  }
  func.func @transform_3(%arg0: i32) -> (i32, i32) {
    %add3A = arith.constant 5 : i32
    %add3A_0 = arith.addi %add3A, %arg0 : i32
    %c0_i32 = arith.constant 0 : i32
    %c0_i32_1 = arith.constant 0 : i32
    return %add3A_0, %c0_i32 : i32, i32
  }
  func.func @transform_4(%arg0: i32) -> (i32, i32) {
    %c0_i32 = arith.constant 0 : i32
    %c0_i32_0 = arith.constant 0 : i32
    return %arg0, %c0_i32 : i32, i32
  }
  func.func @transform_5(%arg0: i32) -> (i32, i32) {
    %c0_i32 = arith.constant 0 : i32
    %c0_i32_0 = arith.constant 0 : i32
    %c0_i32_1 = arith.constant 0 : i32
    return %c0_i32, %c0_i32_0 : i32, i32
  }
  func.func @transform_6(%arg0: i32) -> (i32, i32) {
    %c0_i32 = arith.constant 0 : i32
    %c0_i32_0 = arith.constant 0 : i32
    return %arg0, %c0_i32 : i32, i32
  }
}

</mosaic_0001>

<sc_bundles>
// kernel: kernel.11.cloned.1.call-start
scs
__scs_entry_jumppad:
0x0: {  	(pc) =	sbr.rel $0x88, $3  }
0x1: {  	(tag) =	ssettag $0x0;
	lr =	simm.s32 $0x1  }
0x2: {  	[smem:$0x3F9B] =	sst lr;
	_ =	strace $0xD0000000  }
0x3: {  	_ = 	snop  }
0x4: {  	_ = 	snop  }
0x5: {  	_ = 	snop  }
0x6: {  	_ = 	snop  }
0x7: {  	_ = 	snop  }
__scs_overlays_trampoline_lowered:
0x8: {  	[smem:$0x3FAA] =	sst s0  }
0x9: {  	[smem:$0x3FAB] =	sst s1  }
0xa: {  	[smem:$0x3FAC] =	sst s2  }
0xb: {  	[smem:$0x3FAD] =	sst s3  }
0xc: {  	[smem:$0x3FAE] =	sst s4  }
0xd: {  	[smem:$0x3FAF] =	sst s5  }
0xe: {  	[smem:$0x3FB0] =	sst s6  }
0xf: {  	[smem:$0x3FB1] =	sst s7  }
0x10: {  	[smem:$0x3FB2] =	sst s8  }
0x11: {  	[smem:$0x3FB3] =	sst s9;
	s0 =	simm.s32 @!p0 $0x0  }
0x12: {  	s1 =	sld [smem:$0x3F99];
	s0 =	simm.s32 @p0 $0x1  }
0x13: {  	[smem:$0x3FB4] =	sst s0;
	s0 =	simm.s32 @!p1 $0x0  }
0x14: {  	s2 =	sld [smem:$0x3F98];
	s0 =	simm.s32 @p1 $0x1  }
0x15: {  	[smem:$0x3FB5] =	sst s0;
	s0 =	simm.s32 @!p2 $0x0  }
0x16: {  	s3 =	sld [smem:$0x3FDB];
	s0 =	simm.s32 @p2 $0x1  }
0x17: {  	s4 =	simm.s32 $0x1BF5;
	[smem:$0x3FB7] =	sst s0  }
0x18: {  	s0 =	sld [smem:$0x3F9A];
	_ =	swait.ge [sflag:s4], $0x0  }
0x19: {  	s7 =	sld [smem:$0x3F9B]  }
0x1a: {  	s8 =	sadd.s32 $0xFFFFE003, lr  }
0x1b: {  	s9 =	sadd.s32 $0xFFFFFEF7, lr;
	s5 =	simm.s32 $0xFFFFFFFF;
	p2 =	slt.u32 s8, $0xFFFFF086  }
0x1c: {  	p1 =	slt.u32 s9, $0xF7A;
	s5 =	simm.s32 @!p2 $0x0  }
0x1d: {  	s5 =	simm.s32 @p1 $0x1;
	p0 =	seq.s32 s7, s2  }
0x1e: {  	s7 =	smul.u32 @!p0 $0xF7A, s2;
	p2 =	seq.s32 @!p0 s5, $0x0  }
0x1f: {  	s9 =	smul.u32 $0xF7A, s1;
	s8 =	simm.s32 @!p0 $0x1BF5;
	p2 =	por !p2, p0  }
0x20: {  	[sflag:s8] =	ssyncset.s32 @!p0 $0xFFFFF086;
	s6 =	sadd.s32 @!p0 s3, s7;
	s7 =	simm.s32 @!p0 $0x108  }
0x21: {  	s3 =	sadd.s32 s3, s9;
	s6 =	sadd.s32 @!p0 $0x88, s6;
	s7 =	simm.s32 @p2 $0x1082  }
0x22: {  	[simem:s7], [sflag:s8] =	dma.local @!p0 [hbm:s6], $0xF7A  }
0x23: {  	s9 =	sor.u32 $0xD0000000, s2;
	s6 =	simm.s32 $0x108;
	_ =	swait.ge @!p0 [sflag:s8], $0x0  }
0x24: {  	s3 =	sadd.s32 $0x88, s3;
	s6 =	simm.s32 @!p1 $0x1082;
	[sflag:s4] =	ssyncset.s32 $0xFFFFF086  }
0x25: {  	[simem:s6], [sflag:s4] =	dma.local [hbm:s3], $0xF7A  }
0x26: {  	[smem:$0x3F9B] =	sst s1;
	(tag) =	ssettag s2;
	_ =	strace s9  }
0x27: {  	s1 =	sld [smem:$0x3FAB]  }
0x28: {  	s2 =	sld [smem:$0x3FAC]  }
0x29: {  	s4 =	sld [smem:$0x3FAE]  }
0x2a: {  	p0 =	seq.s32 s5, $0x0;
	s5 =	sld [smem:$0x3FAF]  }
0x2b: {  	s6 =	sld [smem:$0x3FB0]  }
0x2c: {  	s7 =	sld [smem:$0x3FB1]  }
0x2d: {  	s3 =	simm.s32 $0x108;
	s8 =	sld [smem:$0x3FB2]  }
0x2e: {  	s3 =	simm.s32 @!p0 $0x1082;
	s9 =	sld [smem:$0x3FB3]  }
0x2f: {  	lr =	sadd.s32 s0, s3;
	s0 =	sld [smem:$0x3FAA]  }
0x30: {  	s3 =	sld [smem:$0x3FAD]  }
0x31: {  	[smem:$0x3FB6] =	sst s10  }
0x32: {  	s10 =	sld [smem:$0x3FB4];
	_ =	sdelay $0x3  }
0x33: {  	p0 =	seq.s32 s10, $0x1;
	s10 =	sld [smem:$0x3FB6];
	_ =	sdelay $0x3  }
0x34: {  	[smem:$0x3FB6] =	sst s10  }
0x35: {  	s10 =	sld [smem:$0x3FB5];
	_ =	sdelay $0x3  }
0x36: {  	p1 =	seq.s32 s10, $0x1;
	s10 =	sld [smem:$0x3FB6];
	_ =	sdelay $0x3  }
0x37: {  	[smem:$0x3FB6] =	sst s10  }
0x38: {  	s10 =	sld [smem:$0x3FB7]  }
0x39: {  	_ = 	snop;
	(pc) =	sbr.ind lr, $3  }
0x3a: {  	_ = 	snop  }
0x3b: {  	_ = 	snop  }
0x3c: {  	p2 =	seq.s32 s10, $0x1;
	s10 =	sld [smem:$0x3FB6]  }
0x3d: {  	_ =	shalt  }
0x3e: {  	_ =	shalt  }
0x3f: {  	_ =	shalt  }
0x40: {  	_ =	shalt  }
0x41: {  	_ =	shalt  }
0x42: {  	_ =	shalt  }
0x43: {  	_ =	shalt  }
0x44: {  	_ =	shalt  }
0x45: {  	_ =	shalt  }
0x46: {  	_ =	shalt  }
0x47: {  	_ =	shalt  }
0x48: {  	_ =	shalt  }
0x49: {  	_ =	shalt  }
0x4a: {  	_ =	shalt  }
0x4b: {  	_ =	shalt  }
0x4c: {  	_ =	shalt  }
0x4d: {  	_ =	shalt  }
0x4e: {  	_ =	shalt  }
0x4f: {  	_ =	shalt  }
0x50: {  	_ =	shalt  }
0x51: {  	_ =	shalt  }
0x52: {  	_ =	shalt  }
0x53: {  	_ =	shalt  }
0x54: {  	_ =	shalt  }
0x55: {  	_ =	shalt  }
0x56: {  	_ =	shalt  }
0x57: {  	_ =	shalt  }
0x58: {  	_ =	shalt  }
0x59: {  	_ =	shalt  }
0x5a: {  	_ =	shalt  }
0x5b: {  	_ =	shalt  }
0x5c: {  	_ =	shalt  }
0x5d: {  	_ =	shalt  }
0x5e: {  	_ =	shalt  }
0x5f: {  	_ =	shalt  }
0x60: {  	_ =	shalt  }
0x61: {  	_ =	shalt  }
0x62: {  	_ =	shalt  }
0x63: {  	_ =	shalt  }
0x64: {  	_ =	shalt  }
0x65: {  	_ =	shalt  }
0x66: {  	_ =	shalt  }
0x67: {  	_ =	shalt  }
0x68: {  	_ =	shalt  }
0x69: {  	_ =	shalt  }
0x6a: {  	_ =	shalt  }
0x6b: {  	_ =	shalt  }
0x6c: {  	_ =	shalt  }
0x6d: {  	_ =	shalt  }
0x6e: {  	_ =	shalt  }
0x6f: {  	_ =	shalt  }
0x70: {  	_ =	shalt  }
0x71: {  	_ =	shalt  }
0x72: {  	_ =	shalt  }
0x73: {  	_ =	shalt  }
0x74: {  	_ =	shalt  }
0x75: {  	_ =	shalt  }
0x76: {  	_ =	shalt  }
0x77: {  	_ =	shalt  }
0x78: {  	_ =	shalt  }
0x79: {  	_ =	shalt  }
0x7a: {  	_ =	shalt  }
0x7b: {  	_ =	shalt  }
0x7c: {  	_ =	shalt  }
0x7d: {  	_ =	shalt  }
0x7e: {  	_ =	shalt  }
0x7f: {  	_ =	shalt  }
0x80: {  	_ =	shalt  }
0x81: {  	_ =	shalt  }
0x82: {  	_ =	shalt  }
0x83: {  	_ =	shalt  }
0x84: {  	_ =	shalt  }
0x85: {  	_ =	shalt  }
0x86: {  	_ =	shalt  }
0x87: {  	_ =	shalt  }
.Lfunc_end0:
.L_simem_size_0:
called_computation.1_lowered:
.L_overlay_start_0:
0x88: {  	s2 =	sld [smem:$0x3FD9]  }
0x89: {  	s3 =	sld [smem:$0x3FFE];
	_ =	sdelay $0x1  }
0x8a: {  	s1 =	srdreg.scid  }
0x8b: {  	s0 =	sand.u32 $0x1, s1  }
0x8c: {  	s17 =	sshll.u32 s0, $0xA;
	s2 =	sadd.s32 s3, s2  }
0x8d: {  	s2 =	sadd.s32 s2, s17  }
0x8e: {  	[smem:$0x3FC2] =	sst s2  }
0x8f: {  	_ = 	snop  }
0x90: {  	s2 =	sld [smem:$0x3FD0];
	(tm) =	ssettm $0x1  }
0x91: {  	s18 =	sld [smem:$0x3FFB];
	_ =	sdelay $0x3  }
0x92: {  	_ =	strace s18  }
0x93: {  	s3 =	sld [smem:$0x3FFC];
	_ =	sdelay $0x3  }
0x94: {  	_ =	strace s3  }
0x95: {  	s3 =	sld [smem:$0x3FFD];
	_ =	sdelay $0x3  }
0x96: {  	_ =	strace s3  }
0x97: {  	_ =	strace $0x8FFFFFFF  }
0x98: {  	s19 =	sld [smem:$0x3FDB];
	_ =	sdelay $0x1  }
0x99: {  	s4 =	simm.s32 $_scs_section_size  }
0x9a: {  	s5 =	simm.s32 $_size__tile_overlayer_lowered;
	s6 =	simm.s32 $_tile_overlayer_lowered  }
0x9b: {  	s22 =	simm.s32 $0x1BFF;
	s21 =	sshll.u32 s6, $0x1;
	s3 =	sadd.s32 s4, s19  }
0x9c: {  	s7 =	simm.s32 $0x0;
	s20 =	sshll.u32 s5, $0x1;
	s5 =	sadd.s32 s21, s3  }
0x9d: {  	[timem:s7], [sflag:s22] =	dma.local [hbm:s5], s20  }
0x9e: {  	_ =	swait.ge [sflag:s22], s20  }
0x9f: {  	s4 =	ssub.s32 $0x0, s20;
	[sflag:s22] =	ssyncset.done $0x0  }
0xa0: {  	[sflag:s22] =	ssyncadd.s32 s4;
	_ =	sdelay $0x1  }
0xa1: {  	s23 =	simm.s32 $0x1B8B  }
0xa2: {  	_ =	swait.ge [sflag:s23], $0x1  }
0xa3: {  	[sflag:s23] =	ssyncset.done $0x0  }
0xa4: {  	s25 =	simm.s32 $0x1B8E;
	s24 =	sld [smem:$0x3FFE];
	[sflag:s23] =	ssyncadd.s32 $0xFFFFFFFF  }
0xa5: {  	s26 =	simm.s32 $execute0_lowered;
	[smem:$0x3FD2] =	sst s25  }
0xa6: {  	s5 =	sshll.u32 s26, $0x1;
	_ =	strace $0x80000049;
	[dreg:$0x1] =	wrdreg $0xFFFFFFFF  }
0xa7: {  	s28 =	simm.s32 $_size_execute0_lowered;
	s3 =	sadd.s32 s3, s5;
	[dreg:$0x0] =	wrdreg $0x0  }
0xa8: {  	s5 =	sshll.u32 s28, $0x1;
	[dreg:$0x2] =	wrdreg s3  }
0xa9: {  	[dreg:$0x3] =	wrdreg s5  }
0xaa: {  	[dreg:$0x4] =	wrdreg $0xC0  }
0xab: {  	_ =	task [dreg:s7], $0x5FFFF  }
0xac: {  	[dreg:$0x1] =	wrdreg $0xFFFFFFFF  }
0xad: {  	[dreg:$0x0] =	wrdreg $0x60  }
0xae: {  	[dreg:$0x2] =	wrdreg s2  }
0xaf: {  	[dreg:$0x3] =	wrdreg s24  }
0xb0: {  	[dreg:$0x4] =	wrdreg $0x11D000  }
0xb1: {  	[dreg:$0x5] =	wrdreg $0x9  }
0xb2: {  	_ =	task.clear_ibuf [dreg:s7], $0x6FFFF;
	_ =	strace $0x90000049  }
0xb3: {  	s29 =	simm.s32 $0x9;
	_ =	strace $0x8000004B  }
0xb4: {  	_ =	swait.ge [sflag:s29], $0x1  }
0xb5: {  	[sflag:s29] =	ssyncadd.s32 $0xFFFFFFFF  }
0xb6: {  	_ =	strace $0x9000004B  }
0xb7: {  	_ =	sfence  }
0xb8: {  	s30 =	sld [smem:$0x0];
	_ =	sdelay $0x2  }
0xb9: {  	s31 =	sshll.u32 s1, $0xD;
	s1 =	sshrl.u32 s1, $0x2  }
0xba: {  	s3 =	sand.u32 $0x4000, s31;
	s1 =	sadd.s32 s1, s30  }
0xbb: {  	s0 =	sor.u32 s3, s0;
	s1 =	sshll.u32 s1, $0x11  }
0xbc: {  	s0 =	sor.u32 s1, s0  }
0xbd: {  	s0 =	sadd.s32 $0x8F2B, s0  }
0xbe: {  	[sflag:s0] =	ssyncadd.remote.s32 $0x1  }
0xbf: {  	_ =	sfence.sel $0xFFFF  }
0xc0: {  	[dreg:$0x0] =	wrdreg $0xFFFFFFFF;
	(pc) =	sbr.abs _section_cstart, $3  }
0xc1: {  	[dreg:$0x1] =	wrdreg $0xFFFFFFFF  }
0xc2: {  	_ =	task.clear_ibuf [dreg:s7], $0x2FFFF;
	_ =	strace $0x9FFFFFFF  }
0xc3: {  	(tm) =	ssettm $0x7FFFFFFF  }
tec
execute0_lowered:
.L_overlay_start_1:
0x0: {  	(tag) =	ssettag $0x1  }
0x1: {  	s1 =	rddreg [dreg:$0x0]  }
0x2: {  	s0 =	rddreg [dreg:$0x1]  }
0x3: {  	s2 =	srdreg.scid;
	s12 =	stileid.u32  }
0x4: {  	s3 =	rddreg [dreg:$0x2];
	s4 =	simm.s32 $0x0;
	s11 =	simm.s32 $0x9  }
0x5: {  	s14 =	simm.s32 $0x7D;
	s15 =	simm.s32 $0xA000;
	s17 =	simm.s32 $0xBF40  }
0x6: {  	s18 =	simm.s32 $0x1;
	s20 =	simm.s32 $0xDE80;
	s21 =	simm.s32 $0x2  }
0x7: {  	s24 =	simm.s32 $0xFDC0;
	s28 =	simm.s32 $0x5;
	s30 =	simm.s32 $0x4  }
0x8: {  	s16 =	simm.s32 $0x7;
	s19 =	simm.s32 $0x8;
	s5 =	smul.u32 $0x5000, s12  }
0x9: {  	s31 =	simm.s32 $0x9F00;
	s22 =	simm.s32 $0x0;
	s7 =	smul.u32 $0x9C40, s12  }
0xa: {  	s2 =	sand.u32 $0x1, s2;
	[smem:$0x7FF] =	sst s4;
	s25 =	smul.u32 $0x27100, s12  }
0xb: {  	s29 =	sshll.u32 s12, $0x6;
	s6 =	smul.u32 $0x50000, s2;
	_ =	strace $0x8000004A  }
0xc: {  	s8 =	smul.u32 $0x9C400, s2;
	s2 =	ssub.s32 $0x2, s2;
	s12 =	sor.u32 $0x1C09, s29  }
0xd: {  	s9 =	sshrl.u32 s7, $0x3;
	s10 =	sshrl.u32 s2, $0x1;
	s26 =	sshrl.u32 s25, $0x2  }
0xe: {  	s25 =	simm.s32 $0x3;
	s6 =	sadd.s32 s5, s6;
	s5 =	sshrl.u32 s5, $0x3  }
0xf: {  	s7 =	sadd.s32 s7, s8;
	s9 =	sadd.s32 s9, s0;
	s2 =	ssub.s32 s2, s10  }
0x10: {  	s13 =	sadd.s32 s26, s3;
	s10 =	simm.s32 $0x5000;
	s6 =	sshrl.u32 s6, $0x3  }
0x11: {  	s5 =	sadd.s32 s5, s0;
	s7 =	sshrl.u32 s7, $0x3;
	s13 =	sshrl.u32 s13, $0x3  }
0x12: {  	s6 =	sadd.s32 s6, s0;
	s0 =	sadd.s32 s7, s0;
	s5 =	sadd.s32 $0x24A00, s5  }
0x13: {  	s7 =	sadd.s32 $0x7CC00, s9;
	s9 =	smax.u32 s2, $0x1;
	s2 =	simm.s32 $0x6  }
0x14: {  	s6 =	sadd.s32 $0x10A00, s6;
	s8 =	sadd.s32 $0x90600, s0;
	s0 =	simm.s32 $0x9F80  }
.LBB2_1:
0x15: {  	[tilespmem:s10], [sflag:$0x9] =	stream.linear.gather [hbm4b:s5+s4], $0x5000, $0x38;
	[tilespmem:$0x1B940] =	vst v63  }
0x16: {  	_ =	swait.ge [sflag:s11], $0x5000  }
0x17: {  	[sflag:s11] =	ssyncset.done $0x0  }
0x18: {  	[sflag:s11] =	ssyncadd.s32 $0xFFFFB000  }
0x19: {  	[tilespmem:s4], [sflag:$0x9] =	stream.linear.gather [hbm4b:s6+s4], $0x5000, $0x38;
	[tilespmem:$0x1B940] =	vst v63  }
0x1a: {  	_ =	swait.ge [sflag:s11], $0x5000  }
0x1b: {  	[sflag:s11] =	ssyncset.done $0x0  }
0x1c: {  	[sflag:s11] =	ssyncadd.s32 $0xFFFFB000  }
0x1d: {  	[spmem:s13], [sflag:s12] =	dma.local [hbm:s7], $0x1388  }
0x1e: {  	_ =	swait.ge [sflag:s11], $0x1388  }
0x1f: {  	[sflag:s11] =	ssyncset.done $0x0  }
0x20: {  	[sflag:s11] =	ssyncadd.s32 $0xFFFFEC78  }
0x21: {  	[tilespmem:s15], [sflag:$0x1] =	stream.indirect.gather [hbm4b:s1+s14], $0x40, s4, s14, $0xb8;
	[tilespmem:$0x1B940] =	vst v63  }
0x22: {  	s23 =	simm.s32 $0x80  }
0x23: {  	[tilespmem:s17], [sflag:$0x2] =	stream.indirect.gather [hbm4b:s1+s14], $0x40, s23, s14, $0xb8;
	[tilespmem:$0x1B940] =	vst v63  }
0x24: {  	[bflag:$0x0] =	sbarrier.arrive $0xFFFF  }
0x25: {  	_ =	swait.ge [sflag:s18], $0x1F40  }
0x26: {  	[sflag:s18] =	ssyncset.done $0x0  }
0x27: {  	[sflag:s18] =	ssyncadd.s32 $0xFFFFE0C0  }
0x28: {  	[spmem:s3] =	stream.indirect.scatter.add.f32 [tilespmem:s15], [sflag:$0x5], $0x40, s10, s14, $0xb8;
	[tilespmem:$0x1B940] =	vst v63  }
0x29: {  	s26 =	simm.s32 $0x100  }
0x2a: {  	[tilespmem:s20], [sflag:$0x3] =	stream.indirect.gather [hbm4b:s1+s14], $0x40, s26, s14, $0xb8;
	[tilespmem:$0x1B940] =	vst v63  }
0x2b: {  	_ =	swait.ge [sflag:s21], $0x1F40  }
0x2c: {  	[sflag:s21] =	ssyncset.done $0x0  }
0x2d: {  	s29 =	simm.s32 $0x5080;
	[sflag:s21] =	ssyncadd.s32 $0xFFFFE0C0  }
0x2e: {  	[spmem:s3] =	stream.indirect.scatter.add.f32 [tilespmem:s17], [sflag:$0x6], $0x40, s29, s14, $0xb8;
	[tilespmem:$0x1B940] =	vst v63  }
0x2f: {  	s26 =	simm.s32 $0x180  }
0x30: {  	[tilespmem:s24], [sflag:$0x4] =	stream.indirect.gather [hbm4b:s1+s14], $0x40, s26, s14, $0xb8;
	[tilespmem:$0x1B940] =	vst v63  }
0x31: {  	_ =	swait.ge [sflag:s25], $0x1F40  }
0x32: {  	[sflag:s25] =	ssyncset.done $0x0  }
0x33: {  	s29 =	simm.s32 $0x5100;
	[sflag:s25] =	ssyncadd.s32 $0xFFFFE0C0  }
0x34: {  	[spmem:s3] =	stream.indirect.scatter.add.f32 [tilespmem:s20], [sflag:$0x7], $0x40, s29, s14, $0xb8;
	[tilespmem:$0x1B940] =	vst v63  }
0x35: {  	_ =	swait.ge [sflag:s28], $0x1F40  }
0x36: {  	[sflag:s28] =	ssyncset.done $0x0  }
0x37: {  	s26 =	simm.s32 $0x200;
	[sflag:s28] =	ssyncadd.s32 $0xFFFFE0C0  }
0x38: {  	[tilespmem:s15], [sflag:$0x1] =	stream.indirect.gather [hbm4b:s1+s14], $0x40, s26, s14, $0xb8;
	[tilespmem:$0x1B940] =	vst v63  }
0x39: {  	_ =	swait.ge [sflag:s30], $0x1F40  }
0x3a: {  	[sflag:s30] =	ssyncset.done $0x0  }
0x3b: {  	s29 =	simm.s32 $0x5180;
	[sflag:s30] =	ssyncadd.s32 $0xFFFFE0C0  }
0x3c: {  	[spmem:s3] =	stream.indirect.scatter.add.f32 [tilespmem:s24], [sflag:$0x8], $0x40, s29, s14, $0xb8;
	[tilespmem:$0x1B940] =	vst v63  }
0x3d: {  	_ =	swait.ge [sflag:s2], $0x1F40  }
0x3e: {  	[sflag:s2] =	ssyncset.done $0x0  }
0x3f: {  	s26 =	simm.s32 $0x280;
	[sflag:s2] =	ssyncadd.s32 $0xFFFFE0C0  }
0x40: {  	[tilespmem:s17], [sflag:$0x2] =	stream.indirect.gather [hbm4b:s1+s14], $0x40, s26, s14, $0xb8;
	[tilespmem:$0x1B940] =	vst v63  }
0x41: {  	_ =	swait.ge [sflag:s18], $0x1F40  }
0x42: {  	[sflag:s18] =	ssyncset.done $0x0  }
0x43: {  	s29 =	simm.s32 $0x5200;
	[sflag:s18] =	ssyncadd.s32 $0xFFFFE0C0  }
0x44: {  	[spmem:s3] =	stream.indirect.scatter.add.f32 [tilespmem:s15], [sflag:$0x5], $0x40, s29, s14, $0xb8;
	[tilespmem:$0x1B940] =	vst v63  }
0x45: {  	_ =	swait.ge [sflag:s16], $0x1F40  }
0x46: {  	[sflag:s16] =	ssyncset.done $0x0  }
0x47: {  	s26 =	simm.s32 $0x300;
	[sflag:s16] =	ssyncadd.s32 $0xFFFFE0C0  }
0x48: {  	[tilespmem:s20], [sflag:$0x3] =	stream.indirect.gather [hbm4b:s1+s14], $0x40, s26, s14, $0xb8;
	[tilespmem:$0x1B940] =	vst v63  }
0x49: {  	_ =	swait.ge [sflag:s21], $0x1F40  }
0x4a: {  	[sflag:s21] =	ssyncset.done $0x0  }
0x4b: {  	s29 =	simm.s32 $0x5280;
	[sflag:s21] =	ssyncadd.s32 $0xFFFFE0C0  }
0x4c: {  	[spmem:s3] =	stream.indirect.scatter.add.f32 [tilespmem:s17], [sflag:$0x6], $0x40, s29, s14, $0xb8;
	[tilespmem:$0x1B940] =	vst v63  }
0x4d: {  	_ =	swait.ge [sflag:s19], $0x1F40  }
0x4e: {  	[sflag:s19] =	ssyncset.done $0x0  }
0x4f: {  	s26 =	simm.s32 $0x380;
	[sflag:s19] =	ssyncadd.s32 $0xFFFFE0C0  }
0x50: {  	[tilespmem:s24], [sflag:$0x4] =	stream.indirect.gather [hbm4b:s1+s14], $0x40, s26, s14, $0xb8;
	[tilespmem:$0x1B940] =	vst v63  }
0x51: {  	_ =	swait.ge [sflag:s25], $0x1F40  }
0x52: {  	[sflag:s25] =	ssyncset.done $0x0  }
0x53: {  	s29 =	simm.s32 $0x5300;
	[sflag:s25] =	ssyncadd.s32 $0xFFFFE0C0  }
0x54: {  	[spmem:s3] =	stream.indirect.scatter.add.f32 [tilespmem:s20], [sflag:$0x7], $0x40, s29, s14, $0xb8;
	[tilespmem:$0x1B940] =	vst v63  }
0x55: {  	_ =	swait.ge [sflag:s28], $0x1F40  }
0x56: {  	[sflag:s28] =	ssyncset.done $0x0  }
0x57: {  	s26 =	simm.s32 $0x400;
	[sflag:s28] =	ssyncadd.s32 $0xFFFFE0C0  }
0x58: {  	[tilespmem:s15], [sflag:$0x1] =	stream.indirect.gather [hbm4b:s1+s14], $0x40, s26, s14, $0xb8;
	[tilespmem:$0x1B940] =	vst v63  }
0x59: {  	_ =	swait.ge [sflag:s30], $0x1F40  }
0x5a: {  	[sflag:s30] =	ssyncset.done $0x0  }
0x5b: {  	s29 =	simm.s32 $0x5380;
	[sflag:s30] =	ssyncadd.s32 $0xFFFFE0C0  }
0x5c: {  	[spmem:s3] =	stream.indirect.scatter.add.f32 [tilespmem:s24], [sflag:$0x8], $0x40, s29, s14, $0xb8;
	[tilespmem:$0x1B940] =	vst v63  }
0x5d: {  	_ =	swait.ge [sflag:s2], $0x1F40  }
0x5e: {  	[sflag:s2] =	ssyncset.done $0x0  }
0x5f: {  	s23 =	simm.s32 $0x800;
	s26 =	simm.s32 $0x480;
	[sflag:s2] =	ssyncadd.s32 $0xFFFFE0C0  }
.LBB2_2:
0x60: {  	[tilespmem:s17], [sflag:$0x2] =	stream.indirect.gather [hbm4b:s1+s14], $0x40, s26, s14, $0xb8;
	[tilespmem:$0x1B940] =	vst v63  }
0x61: {  	s26 =	smov.u32 s23  }
0x62: {  	p0 =	sne.s32 s23, $0x12800;
	s23 =	sadd.s32 $0x800, s23;
	_ =	swait.ge [sflag:s18], $0x1F40  }
0x63: {  	s26 =	sshra.s32 s26, $0x2;
	[sflag:s18] =	ssyncset.done $0x0  }
0x64: {  	s29 =	sadd.s32 $0x5200, s26;
	[sflag:s18] =	ssyncadd.s32 $0xFFFFE0C0  }
0x65: {  	[spmem:s3] =	stream.indirect.scatter.add.f32 [tilespmem:s15], [sflag:$0x5], $0x40, s29, s14, $0xb8;
	[tilespmem:$0x1B940] =	vst v63  }
0x66: {  	_ =	swait.ge [sflag:s16], $0x1F40  }
0x67: {  	[sflag:s16] =	ssyncset.done $0x0  }
0x68: {  	s29 =	sadd.s32 $0x300, s26;
	[sflag:s16] =	ssyncadd.s32 $0xFFFFE0C0  }
0x69: {  	[tilespmem:s20], [sflag:$0x3] =	stream.indirect.gather [hbm4b:s1+s14], $0x40, s29, s14, $0xb8;
	[tilespmem:$0x1B940] =	vst v63  }
0x6a: {  	_ =	swait.ge [sflag:s21], $0x1F40  }
0x6b: {  	[sflag:s21] =	ssyncset.done $0x0  }
0x6c: {  	s29 =	sadd.s32 $0x5280, s26;
	[sflag:s21] =	ssyncadd.s32 $0xFFFFE0C0  }
0x6d: {  	[spmem:s3] =	stream.indirect.scatter.add.f32 [tilespmem:s17], [sflag:$0x6], $0x40, s29, s14, $0xb8;
	[tilespmem:$0x1B940] =	vst v63  }
0x6e: {  	_ =	swait.ge [sflag:s19], $0x1F40  }
0x6f: {  	[sflag:s19] =	ssyncset.done $0x0  }
0x70: {  	s29 =	sadd.s32 $0x380, s26;
	[sflag:s19] =	ssyncadd.s32 $0xFFFFE0C0  }
0x71: {  	[tilespmem:s24], [sflag:$0x4] =	stream.indirect.gather [hbm4b:s1+s14], $0x40, s29, s14, $0xb8;
	[tilespmem:$0x1B940] =	vst v63  }
0x72: {  	_ =	swait.ge [sflag:s25], $0x1F40  }
0x73: {  	[sflag:s25] =	ssyncset.done $0x0  }
0x74: {  	s29 =	sadd.s32 $0x5300, s26;
	[sflag:s25] =	ssyncadd.s32 $0xFFFFE0C0  }
0x75: {  	[spmem:s3] =	stream.indirect.scatter.add.f32 [tilespmem:s20], [sflag:$0x7], $0x40, s29, s14, $0xb8;
	[tilespmem:$0x1B940] =	vst v63  }
0x76: {  	_ =	swait.ge [sflag:s28], $0x1F40  }
0x77: {  	[sflag:s28] =	ssyncset.done $0x0  }
0x78: {  	s29 =	sadd.s32 $0x400, s26;
	[sflag:s28] =	ssyncadd.s32 $0xFFFFE0C0  }
0x79: {  	[tilespmem:s15], [sflag:$0x1] =	stream.indirect.gather [hbm4b:s1+s14], $0x40, s29, s14, $0xb8;
	[tilespmem:$0x1B940] =	vst v63  }
0x7a: {  	_ =	swait.ge [sflag:s30], $0x1F40  }
0x7b: {  	[sflag:s30] =	ssyncset.done $0x0  }
.Ltmp0:
0x7c: {  	s29 =	sadd.s32 $0x5380, s26;
	[sflag:s30] =	ssyncadd.s32 $0xFFFFE0C0;
	(pc) =	sbr.rel @p0 .LBB2_2-.Ltmp0, $4  }
0x7d: {  	[spmem:s3] =	stream.indirect.scatter.add.f32 [tilespmem:s24], [sflag:$0x8], $0x40, s29, s14, $0xb8;
	[tilespmem:$0x1B940] =	vst v63  }
0x7e: {  	_ =	swait.ge [sflag:s2], $0x1F40  }
0x7f: {  	[sflag:s2] =	ssyncset.done $0x0  }
0x80: {  	s26 =	sadd.s32 $0x480, s26;
	[sflag:s2] =	ssyncadd.s32 $0xFFFFE0C0  }
0x81: {  	[tilespmem:s17], [sflag:$0x2] =	stream.indirect.gather [hbm4b:s1+s14], $0x40, s26, s14, $0xb8;
	[tilespmem:$0x1B940] =	vst v63  }
0x82: {  	_ =	swait.ge [sflag:s18], $0x1F40  }
0x83: {  	[sflag:s18] =	ssyncset.done $0x0  }
0x84: {  	s23 =	simm.s32 $0x9E00;
	[sflag:s18] =	ssyncadd.s32 $0xFFFFE0C0  }
0x85: {  	[spmem:s3] =	stream.indirect.scatter.add.f32 [tilespmem:s15], [sflag:$0x5], $0x40, s23, s14, $0xb8;
	[tilespmem:$0x1B940] =	vst v63  }
0x86: {  	_ =	swait.ge [sflag:s16], $0x1F40  }
0x87: {  	[sflag:s16] =	ssyncset.done $0x0  }
0x88: {  	s29 =	simm.s32 $0x4F00;
	[sflag:s16] =	ssyncadd.s32 $0xFFFFE0C0  }
0x89: {  	[tilespmem:s20], [sflag:$0x3] =	stream.indirect.gather [hbm4b:s1+s14], $0x40, s29, s14, $0xb8;
	[tilespmem:$0x1B940] =	vst v63  }
0x8a: {  	_ =	swait.ge [sflag:s21], $0x1F40  }
0x8b: {  	[sflag:s21] =	ssyncset.done $0x0  }
0x8c: {  	s26 =	simm.s32 $0x9E80;
	[sflag:s21] =	ssyncadd.s32 $0xFFFFE0C0  }
0x8d: {  	[spmem:s3] =	stream.indirect.scatter.add.f32 [tilespmem:s17], [sflag:$0x6], $0x40, s26, s14, $0xb8;
	[tilespmem:$0x1B940] =	vst v63  }
0x8e: {  	_ =	swait.ge [sflag:s19], $0x1F40  }
0x8f: {  	[sflag:s19] =	ssyncset.done $0x0  }
0x90: {  	s29 =	simm.s32 $0x4F80;
	[sflag:s19] =	ssyncadd.s32 $0xFFFFE0C0  }
0x91: {  	[tilespmem:s24], [sflag:$0x4] =	stream.indirect.gather [hbm4b:s1+s14], $0x40, s29, s14, $0xb8;
	[tilespmem:$0x1B940] =	vst v63  }
0x92: {  	_ =	swait.ge [sflag:s25], $0x1F40  }
0x93: {  	[sflag:s25] =	ssyncset.done $0x0  }
0x94: {  	[sflag:s25] =	ssyncadd.s32 $0xFFFFE0C0  }
0x95: {  	[spmem:s3] =	stream.indirect.scatter.add.f32 [tilespmem:s20], [sflag:$0x7], $0x40, s31, s14, $0xb8;
	[tilespmem:$0x1B940] =	vst v63  }
0x96: {  	_ =	swait.ge [sflag:s30], $0x1F40  }
0x97: {  	[sflag:s30] =	ssyncset.done $0x0  }
0x98: {  	[sflag:s30] =	ssyncadd.s32 $0xFFFFE0C0  }
0x99: {  	[spmem:s3] =	stream.indirect.scatter.add.f32 [tilespmem:s24], [sflag:$0x8], $0x40, s0, s14, $0xb8;
	[tilespmem:$0x1B940] =	vst v63  }
0x9a: {  	_ =	swait.ge [sflag:s28], $0x1F40  }
0x9b: {  	[sflag:s28] =	ssyncset.done $0x0  }
0x9c: {  	[sflag:s28] =	ssyncadd.s32 $0xFFFFE0C0  }
0x9d: {  	_ =	swait.ge [sflag:s2], $0x1F40  }
0x9e: {  	[sflag:s2] =	ssyncset.done $0x0  }
0x9f: {  	[sflag:s2] =	ssyncadd.s32 $0xFFFFE0C0  }
0xa0: {  	_ =	swait.ge [sflag:s16], $0x1F40  }
0xa1: {  	[sflag:s16] =	ssyncset.done $0x0  }
0xa2: {  	[sflag:s16] =	ssyncadd.s32 $0xFFFFE0C0  }
0xa3: {  	_ =	swait.ge [sflag:s19], $0x1F40  }
0xa4: {  	s22 =	sadd.s32 $0x1, s22;
	[sflag:s19] =	ssyncset.done $0x0  }
0xa5: {  	p0 =	sne.s32 s22, s9;
	[sflag:s19] =	ssyncadd.s32 $0xFFFFE0C0  }
.Ltmp1:
0xa6: {  	[bflag:$0x0] =	sbarrier.arrive $0xFFFF;
	(pc) =	sbr.rel @p0 .LBB2_1-.Ltmp1, $4  }
0xa7: {  	[hbm:s8], [sflag:s12] =	dma.local [spmem:s13], $0x1388  }
0xa8: {  	_ =	swait.ge [sflag:s11], $0x1388  }
0xa9: {  	[sflag:s11] =	ssyncset.done $0x0  }
0xaa: {  	[sflag:s11] =	ssyncadd.s32 $0xFFFFEC78  }
0xab: {  	_ =	sfence.sel $0x180000  }
0xac: {  	[bflag:$0x0] =	sbarrier.arrive $0xFFFF  }
0xad: {  	_ =	strace $0x9000004A  }
0xae: {  	s0 =	stileid.u32;
	[bflag:$0x2] =	sbarrier.arrive $0xFFFF  }
0xaf: {  	p0 =	sne.s32 s0, $0x0;
	s0 =	rddreg [dreg:$0x3]  }
0xb0: {  	s0 =	sadd.s32 @!p0 $0x100000, s0  }
0xb1: {  	[sflag:s0] =	ssyncadd.tile.s32 @!p0 $0x1;
	_ =	shalt  }
.Lfunc_end2:
_tile_overlayer_lowered:
.L_overlay_start_2:
0xb2: {  	(tag) =	ssettag $0x2  }
0xb3: {  	s0 =	rddreg [dreg:$0x0];
	s2 =	stileid.u32  }
0xb4: {  	s1 =	rddreg [dreg:$0x1];
	p0 =	sne.s32 s2, $0x0  }
0xb5: {  	s3 =	rddreg [dreg:$0x2];
	[bflag:$0x3] =	sbarrier.arrive $0xFFFF;
	s2 =	simm.s32 @!p0 $0x1C09  }
0xb6: {  	[timem:s3], [sflag:s2] =	dma.local @!p0 [hbm:s0], s1  }
0xb7: {  	s0 =	simm.s32 @!p0 $0x9  }
0xb8: {  	_ =	swait.ge @!p0 [sflag:s0], s1  }
0xb9: {  	s1 =	ssub.s32 @!p0 $0x0, s1;
	[sflag:s0] =	ssyncset.done @!p0 $0x0  }
0xba: {  	[sflag:s0] =	ssyncadd.s32 @!p0 s1  }
0xbb: {  	[bflag:$0x3] =	sbarrier.arrive $0xFFFF  }
0xbc: {  	_ =	shalt  }

// kernel: kernel.14.cloned.1.call-start
scs
__scs_entry_jumppad:
0x0: {  	(pc) =	sbr.rel $0x88, $3  }
0x1: {  	(tag) =	ssettag $0x0;
	lr =	simm.s32 $0x1  }
0x2: {  	[smem:$0x3F9B] =	sst lr;
	_ =	strace $0xD0000000  }
0x3: {  	_ = 	snop  }
0x4: {  	_ = 	snop  }
0x5: {  	_ = 	snop  }
0x6: {  	_ = 	snop  }
0x7: {  	_ = 	snop  }
__scs_overlays_trampoline_lowered:
0x8: {  	[smem:$0x3FAA] =	sst s0  }
0x9: {  	[smem:$0x3FAB] =	sst s1  }
0xa: {  	[smem:$0x3FAC] =	sst s2  }
0xb: {  	[smem:$0x3FAD] =	sst s3  }
0xc: {  	[smem:$0x3FAE] =	sst s4  }
0xd: {  	[smem:$0x3FAF] =	sst s5  }
0xe: {  	[smem:$0x3FB0] =	sst s6  }
0xf: {  	[smem:$0x3FB1] =	sst s7  }
0x10: {  	[smem:$0x3FB2] =	sst s8  }
0x11: {  	[smem:$0x3FB3] =	sst s9;
	s0 =	simm.s32 @!p0 $0x0  }
0x12: {  	s1 =	sld [smem:$0x3F99];
	s0 =	simm.s32 @p0 $0x1  }
0x13: {  	[smem:$0x3FB4] =	sst s0;
	s0 =	simm.s32 @!p1 $0x0  }
0x14: {  	s2 =	sld [smem:$0x3F98];
	s0 =	simm.s32 @p1 $0x1  }
0x15: {  	[smem:$0x3FB5] =	sst s0;
	s0 =	simm.s32 @!p2 $0x0  }
0x16: {  	s3 =	sld [smem:$0x3FDB];
	s0 =	simm.s32 @p2 $0x1  }
0x17: {  	s4 =	simm.s32 $0x1BF5;
	[smem:$0x3FB7] =	sst s0  }
0x18: {  	s0 =	sld [smem:$0x3F9A];
	_ =	swait.ge [sflag:s4], $0x0  }
0x19: {  	s7 =	sld [smem:$0x3F9B]  }
0x1a: {  	s8 =	sadd.s32 $0xFFFFE003, lr  }
0x1b: {  	s9 =	sadd.s32 $0xFFFFFEF7, lr;
	s5 =	simm.s32 $0xFFFFFFFF;
	p2 =	slt.u32 s8, $0xFFFFF086  }
0x1c: {  	p1 =	slt.u32 s9, $0xF7A;
	s5 =	simm.s32 @!p2 $0x0  }
0x1d: {  	s5 =	simm.s32 @p1 $0x1;
	p0 =	seq.s32 s7, s2  }
0x1e: {  	s7 =	smul.u32 @!p0 $0xF7A, s2;
	p2 =	seq.s32 @!p0 s5, $0x0  }
0x1f: {  	s9 =	smul.u32 $0xF7A, s1;
	s8 =	simm.s32 @!p0 $0x1BF5;
	p2 =	por !p2, p0  }
0x20: {  	[sflag:s8] =	ssyncset.s32 @!p0 $0xFFFFF086;
	s6 =	sadd.s32 @!p0 s3, s7;
	s7 =	simm.s32 @!p0 $0x108  }
0x21: {  	s3 =	sadd.s32 s3, s9;
	s6 =	sadd.s32 @!p0 $0x88, s6;
	s7 =	simm.s32 @p2 $0x1082  }
0x22: {  	[simem:s7], [sflag:s8] =	dma.local @!p0 [hbm:s6], $0xF7A  }
0x23: {  	s9 =	sor.u32 $0xD0000000, s2;
	s6 =	simm.s32 $0x108;
	_ =	swait.ge @!p0 [sflag:s8], $0x0  }
0x24: {  	s3 =	sadd.s32 $0x88, s3;
	s6 =	simm.s32 @!p1 $0x1082;
	[sflag:s4] =	ssyncset.s32 $0xFFFFF086  }
0x25: {  	[simem:s6], [sflag:s4] =	dma.local [hbm:s3], $0xF7A  }
0x26: {  	[smem:$0x3F9B] =	sst s1;
	(tag) =	ssettag s2;
	_ =	strace s9  }
0x27: {  	s1 =	sld [smem:$0x3FAB]  }
0x28: {  	s2 =	sld [smem:$0x3FAC]  }
0x29: {  	s4 =	sld [smem:$0x3FAE]  }
0x2a: {  	p0 =	seq.s32 s5, $0x0;
	s5 =	sld [smem:$0x3FAF]  }
0x2b: {  	s6 =	sld [smem:$0x3FB0]  }
0x2c: {  	s7 =	sld [smem:$0x3FB1]  }
0x2d: {  	s3 =	simm.s32 $0x108;
	s8 =	sld [smem:$0x3FB2]  }
0x2e: {  	s3 =	simm.s32 @!p0 $0x1082;
	s9 =	sld [smem:$0x3FB3]  }
0x2f: {  	lr =	sadd.s32 s0, s3;
	s0 =	sld [smem:$0x3FAA]  }
0x30: {  	s3 =	sld [smem:$0x3FAD]  }
0x31: {  	[smem:$0x3FB6] =	sst s10  }
0x32: {  	s10 =	sld [smem:$0x3FB4];
	_ =	sdelay $0x3  }
0x33: {  	p0 =	seq.s32 s10, $0x1;
	s10 =	sld [smem:$0x3FB6];
	_ =	sdelay $0x3  }
0x34: {  	[smem:$0x3FB6] =	sst s10  }
0x35: {  	s10 =	sld [smem:$0x3FB5];
	_ =	sdelay $0x3  }
0x36: {  	p1 =	seq.s32 s10, $0x1;
	s10 =	sld [smem:$0x3FB6];
	_ =	sdelay $0x3  }
0x37: {  	[smem:$0x3FB6] =	sst s10  }
0x38: {  	s10 =	sld [smem:$0x3FB7]  }
0x39: {  	_ = 	snop;
	(pc) =	sbr.ind lr, $3  }
0x3a: {  	_ = 	snop  }
0x3b: {  	_ = 	snop  }
0x3c: {  	p2 =	seq.s32 s10, $0x1;
	s10 =	sld [smem:$0x3FB6]  }
0x3d: {  	_ =	shalt  }
0x3e: {  	_ =	shalt  }
0x3f: {  	_ =	shalt  }
0x40: {  	_ =	shalt  }
0x41: {  	_ =	shalt  }
0x42: {  	_ =	shalt  }
0x43: {  	_ =	shalt  }
0x44: {  	_ =	shalt  }
0x45: {  	_ =	shalt  }
0x46: {  	_ =	shalt  }
0x47: {  	_ =	shalt  }
0x48: {  	_ =	shalt  }
0x49: {  	_ =	shalt  }
0x4a: {  	_ =	shalt  }
0x4b: {  	_ =	shalt  }
0x4c: {  	_ =	shalt  }
0x4d: {  	_ =	shalt  }
0x4e: {  	_ =	shalt  }
0x4f: {  	_ =	shalt  }
0x50: {  	_ =	shalt  }
0x51: {  	_ =	shalt  }
0x52: {  	_ =	shalt  }
0x53: {  	_ =	shalt  }
0x54: {  	_ =	shalt  }
0x55: {  	_ =	shalt  }
0x56: {  	_ =	shalt  }
0x57: {  	_ =	shalt  }
0x58: {  	_ =	shalt  }
0x59: {  	_ =	shalt  }
0x5a: {  	_ =	shalt  }
0x5b: {  	_ =	shalt  }
0x5c: {  	_ =	shalt  }
0x5d: {  	_ =	shalt  }
0x5e: {  	_ =	shalt  }
0x5f: {  	_ =	shalt  }
0x60: {  	_ =	shalt  }
0x61: {  	_ =	shalt  }
0x62: {  	_ =	shalt  }
0x63: {  	_ =	shalt  }
0x64: {  	_ =	shalt  }
0x65: {  	_ =	shalt  }
0x66: {  	_ =	shalt  }
0x67: {  	_ =	shalt  }
0x68: {  	_ =	shalt  }
0x69: {  	_ =	shalt  }
0x6a: {  	_ =	shalt  }
0x6b: {  	_ =	shalt  }
0x6c: {  	_ =	shalt  }
0x6d: {  	_ =	shalt  }
0x6e: {  	_ =	shalt  }
0x6f: {  	_ =	shalt  }
0x70: {  	_ =	shalt  }
0x71: {  	_ =	shalt  }
0x72: {  	_ =	shalt  }
0x73: {  	_ =	shalt  }
0x74: {  	_ =	shalt  }
0x75: {  	_ =	shalt  }
0x76: {  	_ =	shalt  }
0x77: {  	_ =	shalt  }
0x78: {  	_ =	shalt  }
0x79: {  	_ =	shalt  }
0x7a: {  	_ =	shalt  }
0x7b: {  	_ =	shalt  }
0x7c: {  	_ =	shalt  }
0x7d: {  	_ =	shalt  }
0x7e: {  	_ =	shalt  }
0x7f: {  	_ =	shalt  }
0x80: {  	_ =	shalt  }
0x81: {  	_ =	shalt  }
0x82: {  	_ =	shalt  }
0x83: {  	_ =	shalt  }
0x84: {  	_ =	shalt  }
0x85: {  	_ =	shalt  }
0x86: {  	_ =	shalt  }
0x87: {  	_ =	shalt  }
.Lfunc_end0:
.L_simem_size_0:
called_computation.2_lowered:
.L_overlay_start_0:
0x88: {  	s2 =	sld [smem:$0x3FD9]  }
0x89: {  	s3 =	sld [smem:$0x3FFE];
	_ =	sdelay $0x1  }
0x8a: {  	s1 =	srdreg.scid  }
0x8b: {  	s0 =	sand.u32 $0x1, s1  }
0x8c: {  	s17 =	sshll.u32 s0, $0xA;
	s2 =	sadd.s32 s3, s2  }
0x8d: {  	s2 =	sadd.s32 s2, s17  }
0x8e: {  	[smem:$0x3FC2] =	sst s2  }
0x8f: {  	_ = 	snop  }
0x90: {  	s2 =	sld [smem:$0x3FD0];
	(tm) =	ssettm $0x1  }
0x91: {  	s18 =	sld [smem:$0x3FFB];
	_ =	sdelay $0x3  }
0x92: {  	_ =	strace s18  }
0x93: {  	s3 =	sld [smem:$0x3FFC];
	_ =	sdelay $0x3  }
0x94: {  	_ =	strace s3  }
0x95: {  	s3 =	sld [smem:$0x3FFD];
	_ =	sdelay $0x3  }
0x96: {  	_ =	strace s3  }
0x97: {  	_ =	strace $0x8FFFFFFF  }
0x98: {  	s19 =	sld [smem:$0x3FDB];
	_ =	sdelay $0x1  }
0x99: {  	s4 =	simm.s32 $_scs_section_size  }
0x9a: {  	s5 =	simm.s32 $_size__tile_overlayer_lowered;
	s6 =	simm.s32 $_tile_overlayer_lowered  }
0x9b: {  	s22 =	simm.s32 $0x1BFF;
	s21 =	sshll.u32 s6, $0x1;
	s3 =	sadd.s32 s4, s19  }
0x9c: {  	s7 =	simm.s32 $0x0;
	s20 =	sshll.u32 s5, $0x1;
	s5 =	sadd.s32 s21, s3  }
0x9d: {  	[timem:s7], [sflag:s22] =	dma.local [hbm:s5], s20  }
0x9e: {  	_ =	swait.ge [sflag:s22], s20  }
0x9f: {  	s4 =	ssub.s32 $0x0, s20;
	[sflag:s22] =	ssyncset.done $0x0  }
0xa0: {  	[sflag:s22] =	ssyncadd.s32 s4;
	_ =	sdelay $0x1  }
0xa1: {  	s23 =	simm.s32 $0x1B8B  }
0xa2: {  	_ =	swait.ge [sflag:s23], $0x1  }
0xa3: {  	[sflag:s23] =	ssyncset.done $0x0  }
0xa4: {  	s25 =	simm.s32 $0x1B8E;
	s24 =	sld [smem:$0x3FFE];
	[sflag:s23] =	ssyncadd.s32 $0xFFFFFFFF  }
0xa5: {  	s26 =	simm.s32 $execute0_lowered;
	[smem:$0x3FD2] =	sst s25  }
0xa6: {  	s5 =	sshll.u32 s26, $0x1;
	_ =	strace $0x8000004C;
	[dreg:$0x1] =	wrdreg $0xFFFFFFFF  }
0xa7: {  	s28 =	simm.s32 $_size_execute0_lowered;
	s3 =	sadd.s32 s3, s5;
	[dreg:$0x0] =	wrdreg $0x0  }
0xa8: {  	s5 =	sshll.u32 s28, $0x1;
	[dreg:$0x2] =	wrdreg s3  }
0xa9: {  	[dreg:$0x3] =	wrdreg s5  }
0xaa: {  	[dreg:$0x4] =	wrdreg $0xC0  }
0xab: {  	_ =	task [dreg:s7], $0x5FFFF  }
0xac: {  	[dreg:$0x1] =	wrdreg $0xFFFFFFFF  }
0xad: {  	[dreg:$0x0] =	wrdreg $0x60  }
0xae: {  	[dreg:$0x2] =	wrdreg s2  }
0xaf: {  	[dreg:$0x3] =	wrdreg s24  }
0xb0: {  	[dreg:$0x4] =	wrdreg $0x11D000  }
0xb1: {  	[dreg:$0x5] =	wrdreg $0x9  }
0xb2: {  	_ =	task.clear_ibuf [dreg:s7], $0x6FFFF;
	_ =	strace $0x9000004C  }
0xb3: {  	s29 =	simm.s32 $0x9;
	_ =	strace $0x8000004E  }
0xb4: {  	_ =	swait.ge [sflag:s29], $0x1  }
0xb5: {  	[sflag:s29] =	ssyncadd.s32 $0xFFFFFFFF  }
0xb6: {  	_ =	strace $0x9000004E  }
0xb7: {  	_ =	sfence  }
0xb8: {  	s30 =	sld [smem:$0x0];
	_ =	sdelay $0x2  }
0xb9: {  	s31 =	sshll.u32 s1, $0xD;
	s1 =	sshrl.u32 s1, $0x2  }
0xba: {  	s3 =	sand.u32 $0x4000, s31;
	s1 =	sadd.s32 s1, s30  }
0xbb: {  	s0 =	sor.u32 s3, s0;
	s1 =	sshll.u32 s1, $0x11  }
0xbc: {  	s0 =	sor.u32 s1, s0  }
0xbd: {  	s0 =	sadd.s32 $0x8F2B, s0  }
0xbe: {  	[sflag:s0] =	ssyncadd.remote.s32 $0x1  }
0xbf: {  	_ =	sfence.sel $0xFFFF  }
0xc0: {  	[dreg:$0x0] =	wrdreg $0xFFFFFFFF;
	(pc) =	sbr.abs _section_cstart, $3  }
0xc1: {  	[dreg:$0x1] =	wrdreg $0xFFFFFFFF  }
0xc2: {  	_ =	task.clear_ibuf [dreg:s7], $0x2FFFF;
	_ =	strace $0x9FFFFFFF  }
0xc3: {  	(tm) =	ssettm $0x7FFFFFFF  }
tec
execute0_lowered:
.L_overlay_start_1:
0x0: {  	(tag) =	ssettag $0x1  }
0x1: {  	s1 =	rddreg [dreg:$0x0]  }
0x2: {  	s0 =	rddreg [dreg:$0x1]  }
0x3: {  	s2 =	srdreg.scid;
	s12 =	stileid.u32  }
0x4: {  	s3 =	rddreg [dreg:$0x2];
	s4 =	simm.s32 $0x0;
	s11 =	simm.s32 $0x9  }
0x5: {  	s14 =	simm.s32 $0x7D;
	s15 =	simm.s32 $0xA000;
	s17 =	simm.s32 $0xBF40  }
0x6: {  	s18 =	simm.s32 $0x1;
	s20 =	simm.s32 $0xDE80;
	s21 =	simm.s32 $0x2  }
0x7: {  	s24 =	simm.s32 $0xFDC0;
	s28 =	simm.s32 $0x5;
	s30 =	simm.s32 $0x4  }
0x8: {  	s16 =	simm.s32 $0x7;
	s19 =	simm.s32 $0x8;
	s5 =	smul.u32 $0x5000, s12  }
0x9: {  	s31 =	simm.s32 $0x9F00;
	s22 =	simm.s32 $0x0;
	s7 =	smul.u32 $0x9C40, s12  }
0xa: {  	s2 =	sand.u32 $0x1, s2;
	[smem:$0x7FF] =	sst s4;
	s25 =	smul.u32 $0x27100, s12  }
0xb: {  	s29 =	sshll.u32 s12, $0x6;
	s6 =	smul.u32 $0x50000, s2;
	_ =	strace $0x8000004D  }
0xc: {  	s8 =	smul.u32 $0x9C400, s2;
	s2 =	ssub.s32 $0x2, s2;
	s12 =	sor.u32 $0x1C09, s29  }
0xd: {  	s9 =	sshrl.u32 s7, $0x3;
	s10 =	sshrl.u32 s2, $0x1;
	s26 =	sshrl.u32 s25, $0x2  }
0xe: {  	s25 =	simm.s32 $0x3;
	s6 =	sadd.s32 s5, s6;
	s5 =	sshrl.u32 s5, $0x3  }
0xf: {  	s7 =	sadd.s32 s7, s8;
	s9 =	sadd.s32 s9, s0;
	s2 =	ssub.s32 s2, s10  }
0x10: {  	s13 =	sadd.s32 s26, s3;
	s10 =	simm.s32 $0x5000;
	s6 =	sshrl.u32 s6, $0x3  }
0x11: {  	s5 =	sadd.s32 s5, s0;
	s7 =	sshrl.u32 s7, $0x3;
	s13 =	sshrl.u32 s13, $0x3  }
0x12: {  	s6 =	sadd.s32 s6, s0;
	s0 =	sadd.s32 s7, s0;
	s5 =	sadd.s32 $0x24A00, s5  }
0x13: {  	s7 =	sadd.s32 $0x7CC00, s9;
	s9 =	smax.u32 s2, $0x1;
	s2 =	simm.s32 $0x6  }
0x14: {  	s6 =	sadd.s32 $0x10A00, s6;
	s8 =	sadd.s32 $0x90600, s0;
	s0 =	simm.s32 $0x9F80  }
.LBB2_1:
0x15: {  	[tilespmem:s10], [sflag:$0x9] =	stream.linear.gather [hbm4b:s5+s4], $0x5000, $0x38;
	[tilespmem:$0x1B940] =	vst v63  }
0x16: {  	_ =	swait.ge [sflag:s11], $0x5000  }
0x17: {  	[sflag:s11] =	ssyncset.done $0x0  }
0x18: {  	[sflag:s11] =	ssyncadd.s32 $0xFFFFB000  }
0x19: {  	[tilespmem:s4], [sflag:$0x9] =	stream.linear.gather [hbm4b:s6+s4], $0x5000, $0x38;
	[tilespmem:$0x1B940] =	vst v63  }
0x1a: {  	_ =	swait.ge [sflag:s11], $0x5000  }
0x1b: {  	[sflag:s11] =	ssyncset.done $0x0  }
0x1c: {  	[sflag:s11] =	ssyncadd.s32 $0xFFFFB000  }
0x1d: {  	[spmem:s13], [sflag:s12] =	dma.local [hbm:s7], $0x1388  }
0x1e: {  	_ =	swait.ge [sflag:s11], $0x1388  }
0x1f: {  	[sflag:s11] =	ssyncset.done $0x0  }
0x20: {  	[sflag:s11] =	ssyncadd.s32 $0xFFFFEC78  }
0x21: {  	[tilespmem:s15], [sflag:$0x1] =	stream.indirect.gather [hbm4b:s1+s14], $0x40, s4, s14, $0xb8;
	[tilespmem:$0x1B940] =	vst v63  }
0x22: {  	s23 =	simm.s32 $0x80  }
0x23: {  	[tilespmem:s17], [sflag:$0x2] =	stream.indirect.gather [hbm4b:s1+s14], $0x40, s23, s14, $0xb8;
	[tilespmem:$0x1B940] =	vst v63  }
0x24: {  	[bflag:$0x0] =	sbarrier.arrive $0xFFFF  }
0x25: {  	_ =	swait.ge [sflag:s18], $0x1F40  }
0x26: {  	[sflag:s18] =	ssyncset.done $0x0  }
0x27: {  	[sflag:s18] =	ssyncadd.s32 $0xFFFFE0C0  }
0x28: {  	[spmem:s3] =	stream.indirect.scatter.add.f32 [tilespmem:s15], [sflag:$0x5], $0x40, s10, s14, $0xb8;
	[tilespmem:$0x1B940] =	vst v63  }
0x29: {  	s26 =	simm.s32 $0x100  }
0x2a: {  	[tilespmem:s20], [sflag:$0x3] =	stream.indirect.gather [hbm4b:s1+s14], $0x40, s26, s14, $0xb8;
	[tilespmem:$0x1B940] =	vst v63  }
0x2b: {  	_ =	swait.ge [sflag:s21], $0x1F40  }
0x2c: {  	[sflag:s21] =	ssyncset.done $0x0  }
0x2d: {  	s29 =	simm.s32 $0x5080;
	[sflag:s21] =	ssyncadd.s32 $0xFFFFE0C0  }
0x2e: {  	[spmem:s3] =	stream.indirect.scatter.add.f32 [tilespmem:s17], [sflag:$0x6], $0x40, s29, s14, $0xb8;
	[tilespmem:$0x1B940] =	vst v63  }
0x2f: {  	s26 =	simm.s32 $0x180  }
0x30: {  	[tilespmem:s24], [sflag:$0x4] =	stream.indirect.gather [hbm4b:s1+s14], $0x40, s26, s14, $0xb8;
	[tilespmem:$0x1B940] =	vst v63  }
0x31: {  	_ =	swait.ge [sflag:s25], $0x1F40  }
0x32: {  	[sflag:s25] =	ssyncset.done $0x0  }
0x33: {  	s29 =	simm.s32 $0x5100;
	[sflag:s25] =	ssyncadd.s32 $0xFFFFE0C0  }
0x34: {  	[spmem:s3] =	stream.indirect.scatter.add.f32 [tilespmem:s20], [sflag:$0x7], $0x40, s29, s14, $0xb8;
	[tilespmem:$0x1B940] =	vst v63  }
0x35: {  	_ =	swait.ge [sflag:s28], $0x1F40  }
0x36: {  	[sflag:s28] =	ssyncset.done $0x0  }
0x37: {  	s26 =	simm.s32 $0x200;
	[sflag:s28] =	ssyncadd.s32 $0xFFFFE0C0  }
0x38: {  	[tilespmem:s15], [sflag:$0x1] =	stream.indirect.gather [hbm4b:s1+s14], $0x40, s26, s14, $0xb8;
	[tilespmem:$0x1B940] =	vst v63  }
0x39: {  	_ =	swait.ge [sflag:s30], $0x1F40  }
0x3a: {  	[sflag:s30] =	ssyncset.done $0x0  }
0x3b: {  	s29 =	simm.s32 $0x5180;
	[sflag:s30] =	ssyncadd.s32 $0xFFFFE0C0  }
0x3c: {  	[spmem:s3] =	stream.indirect.scatter.add.f32 [tilespmem:s24], [sflag:$0x8], $0x40, s29, s14, $0xb8;
	[tilespmem:$0x1B940] =	vst v63  }
0x3d: {  	_ =	swait.ge [sflag:s2], $0x1F40  }
0x3e: {  	[sflag:s2] =	ssyncset.done $0x0  }
0x3f: {  	s26 =	simm.s32 $0x280;
	[sflag:s2] =	ssyncadd.s32 $0xFFFFE0C0  }
0x40: {  	[tilespmem:s17], [sflag:$0x2] =	stream.indirect.gather [hbm4b:s1+s14], $0x40, s26, s14, $0xb8;
	[tilespmem:$0x1B940] =	vst v63  }
0x41: {  	_ =	swait.ge [sflag:s18], $0x1F40  }
0x42: {  	[sflag:s18] =	ssyncset.done $0x0  }
0x43: {  	s29 =	simm.s32 $0x5200;
	[sflag:s18] =	ssyncadd.s32 $0xFFFFE0C0  }
0x44: {  	[spmem:s3] =	stream.indirect.scatter.add.f32 [tilespmem:s15], [sflag:$0x5], $0x40, s29, s14, $0xb8;
	[tilespmem:$0x1B940] =	vst v63  }
0x45: {  	_ =	swait.ge [sflag:s16], $0x1F40  }
0x46: {  	[sflag:s16] =	ssyncset.done $0x0  }
0x47: {  	s26 =	simm.s32 $0x300;
	[sflag:s16] =	ssyncadd.s32 $0xFFFFE0C0  }
0x48: {  	[tilespmem:s20], [sflag:$0x3] =	stream.indirect.gather [hbm4b:s1+s14], $0x40, s26, s14, $0xb8;
	[tilespmem:$0x1B940] =	vst v63  }
0x49: {  	_ =	swait.ge [sflag:s21], $0x1F40  }
0x4a: {  	[sflag:s21] =	ssyncset.done $0x0  }
0x4b: {  	s29 =	simm.s32 $0x5280;
	[sflag:s21] =	ssyncadd.s32 $0xFFFFE0C0  }
0x4c: {  	[spmem:s3] =	stream.indirect.scatter.add.f32 [tilespmem:s17], [sflag:$0x6], $0x40, s29, s14, $0xb8;
	[tilespmem:$0x1B940] =	vst v63  }
0x4d: {  	_ =	swait.ge [sflag:s19], $0x1F40  }
0x4e: {  	[sflag:s19] =	ssyncset.done $0x0  }
0x4f: {  	s26 =	simm.s32 $0x380;
	[sflag:s19] =	ssyncadd.s32 $0xFFFFE0C0  }
0x50: {  	[tilespmem:s24], [sflag:$0x4] =	stream.indirect.gather [hbm4b:s1+s14], $0x40, s26, s14, $0xb8;
	[tilespmem:$0x1B940] =	vst v63  }
0x51: {  	_ =	swait.ge [sflag:s25], $0x1F40  }
0x52: {  	[sflag:s25] =	ssyncset.done $0x0  }
0x53: {  	s29 =	simm.s32 $0x5300;
	[sflag:s25] =	ssyncadd.s32 $0xFFFFE0C0  }
0x54: {  	[spmem:s3] =	stream.indirect.scatter.add.f32 [tilespmem:s20], [sflag:$0x7], $0x40, s29, s14, $0xb8;
	[tilespmem:$0x1B940] =	vst v63  }
0x55: {  	_ =	swait.ge [sflag:s28], $0x1F40  }
0x56: {  	[sflag:s28] =	ssyncset.done $0x0  }
0x57: {  	s26 =	simm.s32 $0x400;
	[sflag:s28] =	ssyncadd.s32 $0xFFFFE0C0  }
0x58: {  	[tilespmem:s15], [sflag:$0x1] =	stream.indirect.gather [hbm4b:s1+s14], $0x40, s26, s14, $0xb8;
	[tilespmem:$0x1B940] =	vst v63  }
0x59: {  	_ =	swait.ge [sflag:s30], $0x1F40  }
0x5a: {  	[sflag:s30] =	ssyncset.done $0x0  }
0x5b: {  	s29 =	simm.s32 $0x5380;
	[sflag:s30] =	ssyncadd.s32 $0xFFFFE0C0  }
0x5c: {  	[spmem:s3] =	stream.indirect.scatter.add.f32 [tilespmem:s24], [sflag:$0x8], $0x40, s29, s14, $0xb8;
	[tilespmem:$0x1B940] =	vst v63  }
0x5d: {  	_ =	swait.ge [sflag:s2], $0x1F40  }
0x5e: {  	[sflag:s2] =	ssyncset.done $0x0  }
0x5f: {  	s23 =	simm.s32 $0x800;
	s26 =	simm.s32 $0x480;
	[sflag:s2] =	ssyncadd.s32 $0xFFFFE0C0  }
.LBB2_2:
0x60: {  	[tilespmem:s17], [sflag:$0x2] =	stream.indirect.gather [hbm4b:s1+s14], $0x40, s26, s14, $0xb8;
	[tilespmem:$0x1B940] =	vst v63  }
0x61: {  	s26 =	smov.u32 s23  }
0x62: {  	p0 =	sne.s32 s23, $0x12800;
	s23 =	sadd.s32 $0x800, s23;
	_ =	swait.ge [sflag:s18], $0x1F40  }
0x63: {  	s26 =	sshra.s32 s26, $0x2;
	[sflag:s18] =	ssyncset.done $0x0  }
0x64: {  	s29 =	sadd.s32 $0x5200, s26;
	[sflag:s18] =	ssyncadd.s32 $0xFFFFE0C0  }
0x65: {  	[spmem:s3] =	stream.indirect.scatter.add.f32 [tilespmem:s15], [sflag:$0x5], $0x40, s29, s14, $0xb8;
	[tilespmem:$0x1B940] =	vst v63  }
0x66: {  	_ =	swait.ge [sflag:s16], $0x1F40  }
0x67: {  	[sflag:s16] =	ssyncset.done $0x0  }
0x68: {  	s29 =	sadd.s32 $0x300, s26;
	[sflag:s16] =	ssyncadd.s32 $0xFFFFE0C0  }
0x69: {  	[tilespmem:s20], [sflag:$0x3] =	stream.indirect.gather [hbm4b:s1+s14], $0x40, s29, s14, $0xb8;
	[tilespmem:$0x1B940] =	vst v63  }
0x6a: {  	_ =	swait.ge [sflag:s21], $0x1F40  }
0x6b: {  	[sflag:s21] =	ssyncset.done $0x0  }
0x6c: {  	s29 =	sadd.s32 $0x5280, s26;
	[sflag:s21] =	ssyncadd.s32 $0xFFFFE0C0  }
0x6d: {  	[spmem:s3] =	stream.indirect.scatter.add.f32 [tilespmem:s17], [sflag:$0x6], $0x40, s29, s14, $0xb8;
	[tilespmem:$0x1B940] =	vst v63  }
0x6e: {  	_ =	swait.ge [sflag:s19], $0x1F40  }
0x6f: {  	[sflag:s19] =	ssyncset.done $0x0  }
0x70: {  	s29 =	sadd.s32 $0x380, s26;
	[sflag:s19] =	ssyncadd.s32 $0xFFFFE0C0  }
0x71: {  	[tilespmem:s24], [sflag:$0x4] =	stream.indirect.gather [hbm4b:s1+s14], $0x40, s29, s14, $0xb8;
	[tilespmem:$0x1B940] =	vst v63  }
0x72: {  	_ =	swait.ge [sflag:s25], $0x1F40  }
0x73: {  	[sflag:s25] =	ssyncset.done $0x0  }
0x74: {  	s29 =	sadd.s32 $0x5300, s26;
	[sflag:s25] =	ssyncadd.s32 $0xFFFFE0C0  }
0x75: {  	[spmem:s3] =	stream.indirect.scatter.add.f32 [tilespmem:s20], [sflag:$0x7], $0x40, s29, s14, $0xb8;
	[tilespmem:$0x1B940] =	vst v63  }
0x76: {  	_ =	swait.ge [sflag:s28], $0x1F40  }
0x77: {  	[sflag:s28] =	ssyncset.done $0x0  }
0x78: {  	s29 =	sadd.s32 $0x400, s26;
	[sflag:s28] =	ssyncadd.s32 $0xFFFFE0C0  }
0x79: {  	[tilespmem:s15], [sflag:$0x1] =	stream.indirect.gather [hbm4b:s1+s14], $0x40, s29, s14, $0xb8;
	[tilespmem:$0x1B940] =	vst v63  }
0x7a: {  	_ =	swait.ge [sflag:s30], $0x1F40  }
0x7b: {  	[sflag:s30] =	ssyncset.done $0x0  }
.Ltmp0:
0x7c: {  	s29 =	sadd.s32 $0x5380, s26;
	[sflag:s30] =	ssyncadd.s32 $0xFFFFE0C0;
	(pc) =	sbr.rel @p0 .LBB2_2-.Ltmp0, $4  }
0x7d: {  	[spmem:s3] =	stream.indirect.scatter.add.f32 [tilespmem:s24], [sflag:$0x8], $0x40, s29, s14, $0xb8;
	[tilespmem:$0x1B940] =	vst v63  }
0x7e: {  	_ =	swait.ge [sflag:s2], $0x1F40  }
0x7f: {  	[sflag:s2] =	ssyncset.done $0x0  }
0x80: {  	s26 =	sadd.s32 $0x480, s26;
	[sflag:s2] =	ssyncadd.s32 $0xFFFFE0C0  }
0x81: {  	[tilespmem:s17], [sflag:$0x2] =	stream.indirect.gather [hbm4b:s1+s14], $0x40, s26, s14, $0xb8;
	[tilespmem:$0x1B940] =	vst v63  }
0x82: {  	_ =	swait.ge [sflag:s18], $0x1F40  }
0x83: {  	[sflag:s18] =	ssyncset.done $0x0  }
0x84: {  	s23 =	simm.s32 $0x9E00;
	[sflag:s18] =	ssyncadd.s32 $0xFFFFE0C0  }
0x85: {  	[spmem:s3] =	stream.indirect.scatter.add.f32 [tilespmem:s15], [sflag:$0x5], $0x40, s23, s14, $0xb8;
	[tilespmem:$0x1B940] =	vst v63  }
0x86: {  	_ =	swait.ge [sflag:s16], $0x1F40  }
0x87: {  	[sflag:s16] =	ssyncset.done $0x0  }
0x88: {  	s29 =	simm.s32 $0x4F00;
	[sflag:s16] =	ssyncadd.s32 $0xFFFFE0C0  }
0x89: {  	[tilespmem:s20], [sflag:$0x3] =	stream.indirect.gather [hbm4b:s1+s14], $0x40, s29, s14, $0xb8;
	[tilespmem:$0x1B940] =	vst v63  }
0x8a: {  	_ =	swait.ge [sflag:s21], $0x1F40  }
0x8b: {  	[sflag:s21] =	ssyncset.done $0x0  }
0x8c: {  	s26 =	simm.s32 $0x9E80;
	[sflag:s21] =	ssyncadd.s32 $0xFFFFE0C0  }
0x8d: {  	[spmem:s3] =	stream.indirect.scatter.add.f32 [tilespmem:s17], [sflag:$0x6], $0x40, s26, s14, $0xb8;
	[tilespmem:$0x1B940] =	vst v63  }
0x8e: {  	_ =	swait.ge [sflag:s19], $0x1F40  }
0x8f: {  	[sflag:s19] =	ssyncset.done $0x0  }
0x90: {  	s29 =	simm.s32 $0x4F80;
	[sflag:s19] =	ssyncadd.s32 $0xFFFFE0C0  }
0x91: {  	[tilespmem:s24], [sflag:$0x4] =	stream.indirect.gather [hbm4b:s1+s14], $0x40, s29, s14, $0xb8;
	[tilespmem:$0x1B940] =	vst v63  }
0x92: {  	_ =	swait.ge [sflag:s25], $0x1F40  }
0x93: {  	[sflag:s25] =	ssyncset.done $0x0  }
0x94: {  	[sflag:s25] =	ssyncadd.s32 $0xFFFFE0C0  }
0x95: {  	[spmem:s3] =	stream.indirect.scatter.add.f32 [tilespmem:s20], [sflag:$0x7], $0x40, s31, s14, $0xb8;
	[tilespmem:$0x1B940] =	vst v63  }
0x96: {  	_ =	swait.ge [sflag:s30], $0x1F40  }
0x97: {  	[sflag:s30] =	ssyncset.done $0x0  }
0x98: {  	[sflag:s30] =	ssyncadd.s32 $0xFFFFE0C0  }
0x99: {  	[spmem:s3] =	stream.indirect.scatter.add.f32 [tilespmem:s24], [sflag:$0x8], $0x40, s0, s14, $0xb8;
	[tilespmem:$0x1B940] =	vst v63  }
0x9a: {  	_ =	swait.ge [sflag:s28], $0x1F40  }
0x9b: {  	[sflag:s28] =	ssyncset.done $0x0  }
0x9c: {  	[sflag:s28] =	ssyncadd.s32 $0xFFFFE0C0  }
0x9d: {  	_ =	swait.ge [sflag:s2], $0x1F40  }
0x9e: {  	[sflag:s2] =	ssyncset.done $0x0  }
0x9f: {  	[sflag:s2] =	ssyncadd.s32 $0xFFFFE0C0  }
0xa0: {  	_ =	swait.ge [sflag:s16], $0x1F40  }
0xa1: {  	[sflag:s16] =	ssyncset.done $0x0  }
0xa2: {  	[sflag:s16] =	ssyncadd.s32 $0xFFFFE0C0  }
0xa3: {  	_ =	swait.ge [sflag:s19], $0x1F40  }
0xa4: {  	s22 =	sadd.s32 $0x1, s22;
	[sflag:s19] =	ssyncset.done $0x0  }
0xa5: {  	p0 =	sne.s32 s22, s9;
	[sflag:s19] =	ssyncadd.s32 $0xFFFFE0C0  }
.Ltmp1:
0xa6: {  	[bflag:$0x0] =	sbarrier.arrive $0xFFFF;
	(pc) =	sbr.rel @p0 .LBB2_1-.Ltmp1, $4  }
0xa7: {  	[hbm:s8], [sflag:s12] =	dma.local [spmem:s13], $0x1388  }
0xa8: {  	_ =	swait.ge [sflag:s11], $0x1388  }
0xa9: {  	[sflag:s11] =	ssyncset.done $0x0  }
0xaa: {  	[sflag:s11] =	ssyncadd.s32 $0xFFFFEC78  }
0xab: {  	_ =	sfence.sel $0x180000  }
0xac: {  	[bflag:$0x0] =	sbarrier.arrive $0xFFFF  }
0xad: {  	_ =	strace $0x9000004D  }
0xae: {  	s0 =	stileid.u32;
	[bflag:$0x2] =	sbarrier.arrive $0xFFFF  }
0xaf: {  	p0 =	sne.s32 s0, $0x0;
	s0 =	rddreg [dreg:$0x3]  }
0xb0: {  	s0 =	sadd.s32 @!p0 $0x100000, s0  }
0xb1: {  	[sflag:s0] =	ssyncadd.tile.s32 @!p0 $0x1;
	_ =	shalt  }
.Lfunc_end2:
_tile_overlayer_lowered:
.L_overlay_start_2:
0xb2: {  	(tag) =	ssettag $0x2  }
0xb3: {  	s0 =	rddreg [dreg:$0x0];
	s2 =	stileid.u32  }
0xb4: {  	s1 =	rddreg [dreg:$0x1];
	p0 =	sne.s32 s2, $0x0  }
0xb5: {  	s3 =	rddreg [dreg:$0x2];
	[bflag:$0x3] =	sbarrier.arrive $0xFFFF;
	s2 =	simm.s32 @!p0 $0x1C09  }
0xb6: {  	[timem:s3], [sflag:s2] =	dma.local @!p0 [hbm:s0], s1  }
0xb7: {  	s0 =	simm.s32 @!p0 $0x9  }
0xb8: {  	_ =	swait.ge @!p0 [sflag:s0], s1  }
0xb9: {  	s1 =	ssub.s32 @!p0 $0x0, s1;
	[sflag:s0] =	ssyncset.done @!p0 $0x0  }
0xba: {  	[sflag:s0] =	ssyncadd.s32 @!p0 s1  }
0xbb: {  	[bflag:$0x3] =	sbarrier.arrive $0xFFFF  }
0xbc: {  	_ =	shalt  }

// kernel: kernel.8.cloned.1.call-start
scs
__scs_entry_jumppad:
0x0: {  	(pc) =	sbr.rel $0x88, $3  }
0x1: {  	(tag) =	ssettag $0x0;
	lr =	simm.s32 $0x1  }
0x2: {  	[smem:$0x3F9B] =	sst lr;
	_ =	strace $0xD0000000  }
0x3: {  	_ = 	snop  }
0x4: {  	_ = 	snop  }
0x5: {  	_ = 	snop  }
0x6: {  	_ = 	snop  }
0x7: {  	_ = 	snop  }
__scs_overlays_trampoline_lowered:
0x8: {  	[smem:$0x3FAA] =	sst s0  }
0x9: {  	[smem:$0x3FAB] =	sst s1  }
0xa: {  	[smem:$0x3FAC] =	sst s2  }
0xb: {  	[smem:$0x3FAD] =	sst s3  }
0xc: {  	[smem:$0x3FAE] =	sst s4  }
0xd: {  	[smem:$0x3FAF] =	sst s5  }
0xe: {  	[smem:$0x3FB0] =	sst s6  }
0xf: {  	[smem:$0x3FB1] =	sst s7  }
0x10: {  	[smem:$0x3FB2] =	sst s8  }
0x11: {  	[smem:$0x3FB3] =	sst s9;
	s0 =	simm.s32 @!p0 $0x0  }
0x12: {  	s1 =	sld [smem:$0x3F99];
	s0 =	simm.s32 @p0 $0x1  }
0x13: {  	[smem:$0x3FB4] =	sst s0;
	s0 =	simm.s32 @!p1 $0x0  }
0x14: {  	s2 =	sld [smem:$0x3F98];
	s0 =	simm.s32 @p1 $0x1  }
0x15: {  	[smem:$0x3FB5] =	sst s0;
	s0 =	simm.s32 @!p2 $0x0  }
0x16: {  	s3 =	sld [smem:$0x3FDB];
	s0 =	simm.s32 @p2 $0x1  }
0x17: {  	s4 =	simm.s32 $0x1BF5;
	[smem:$0x3FB7] =	sst s0  }
0x18: {  	s0 =	sld [smem:$0x3F9A];
	_ =	swait.ge [sflag:s4], $0x0  }
0x19: {  	s7 =	sld [smem:$0x3F9B]  }
0x1a: {  	s8 =	sadd.s32 $0xFFFFE003, lr  }
0x1b: {  	s9 =	sadd.s32 $0xFFFFFEF7, lr;
	s5 =	simm.s32 $0xFFFFFFFF;
	p2 =	slt.u32 s8, $0xFFFFF086  }
0x1c: {  	p1 =	slt.u32 s9, $0xF7A;
	s5 =	simm.s32 @!p2 $0x0  }
0x1d: {  	s5 =	simm.s32 @p1 $0x1;
	p0 =	seq.s32 s7, s2  }
0x1e: {  	s7 =	smul.u32 @!p0 $0xF7A, s2;
	p2 =	seq.s32 @!p0 s5, $0x0  }
0x1f: {  	s9 =	smul.u32 $0xF7A, s1;
	s8 =	simm.s32 @!p0 $0x1BF5;
	p2 =	por !p2, p0  }
0x20: {  	[sflag:s8] =	ssyncset.s32 @!p0 $0xFFFFF086;
	s6 =	sadd.s32 @!p0 s3, s7;
	s7 =	simm.s32 @!p0 $0x108  }
0x21: {  	s3 =	sadd.s32 s3, s9;
	s6 =	sadd.s32 @!p0 $0x88, s6;
	s7 =	simm.s32 @p2 $0x1082  }
0x22: {  	[simem:s7], [sflag:s8] =	dma.local @!p0 [hbm:s6], $0xF7A  }
0x23: {  	s9 =	sor.u32 $0xD0000000, s2;
	s6 =	simm.s32 $0x108;
	_ =	swait.ge @!p0 [sflag:s8], $0x0  }
0x24: {  	s3 =	sadd.s32 $0x88, s3;
	s6 =	simm.s32 @!p1 $0x1082;
	[sflag:s4] =	ssyncset.s32 $0xFFFFF086  }
0x25: {  	[simem:s6], [sflag:s4] =	dma.local [hbm:s3], $0xF7A  }
0x26: {  	[smem:$0x3F9B] =	sst s1;
	(tag) =	ssettag s2;
	_ =	strace s9  }
0x27: {  	s1 =	sld [smem:$0x3FAB]  }
0x28: {  	s2 =	sld [smem:$0x3FAC]  }
0x29: {  	s4 =	sld [smem:$0x3FAE]  }
0x2a: {  	p0 =	seq.s32 s5, $0x0;
	s5 =	sld [smem:$0x3FAF]  }
0x2b: {  	s6 =	sld [smem:$0x3FB0]  }
0x2c: {  	s7 =	sld [smem:$0x3FB1]  }
0x2d: {  	s3 =	simm.s32 $0x108;
	s8 =	sld [smem:$0x3FB2]  }
0x2e: {  	s3 =	simm.s32 @!p0 $0x1082;
	s9 =	sld [smem:$0x3FB3]  }
0x2f: {  	lr =	sadd.s32 s0, s3;
	s0 =	sld [smem:$0x3FAA]  }
0x30: {  	s3 =	sld [smem:$0x3FAD]  }
0x31: {  	[smem:$0x3FB6] =	sst s10  }
0x32: {  	s10 =	sld [smem:$0x3FB4];
	_ =	sdelay $0x3  }
0x33: {  	p0 =	seq.s32 s10, $0x1;
	s10 =	sld [smem:$0x3FB6];
	_ =	sdelay $0x3  }
0x34: {  	[smem:$0x3FB6] =	sst s10  }
0x35: {  	s10 =	sld [smem:$0x3FB5];
	_ =	sdelay $0x3  }
0x36: {  	p1 =	seq.s32 s10, $0x1;
	s10 =	sld [smem:$0x3FB6];
	_ =	sdelay $0x3  }
0x37: {  	[smem:$0x3FB6] =	sst s10  }
0x38: {  	s10 =	sld [smem:$0x3FB7]  }
0x39: {  	_ = 	snop;
	(pc) =	sbr.ind lr, $3  }
0x3a: {  	_ = 	snop  }
0x3b: {  	_ = 	snop  }
0x3c: {  	p2 =	seq.s32 s10, $0x1;
	s10 =	sld [smem:$0x3FB6]  }
0x3d: {  	_ =	shalt  }
0x3e: {  	_ =	shalt  }
0x3f: {  	_ =	shalt  }
0x40: {  	_ =	shalt  }
0x41: {  	_ =	shalt  }
0x42: {  	_ =	shalt  }
0x43: {  	_ =	shalt  }
0x44: {  	_ =	shalt  }
0x45: {  	_ =	shalt  }
0x46: {  	_ =	shalt  }
0x47: {  	_ =	shalt  }
0x48: {  	_ =	shalt  }
0x49: {  	_ =	shalt  }
0x4a: {  	_ =	shalt  }
0x4b: {  	_ =	shalt  }
0x4c: {  	_ =	shalt  }
0x4d: {  	_ =	shalt  }
0x4e: {  	_ =	shalt  }
0x4f: {  	_ =	shalt  }
0x50: {  	_ =	shalt  }
0x51: {  	_ =	shalt  }
0x52: {  	_ =	shalt  }
0x53: {  	_ =	shalt  }
0x54: {  	_ =	shalt  }
0x55: {  	_ =	shalt  }
0x56: {  	_ =	shalt  }
0x57: {  	_ =	shalt  }
0x58: {  	_ =	shalt  }
0x59: {  	_ =	shalt  }
0x5a: {  	_ =	shalt  }
0x5b: {  	_ =	shalt  }
0x5c: {  	_ =	shalt  }
0x5d: {  	_ =	shalt  }
0x5e: {  	_ =	shalt  }
0x5f: {  	_ =	shalt  }
0x60: {  	_ =	shalt  }
0x61: {  	_ =	shalt  }
0x62: {  	_ =	shalt  }
0x63: {  	_ =	shalt  }
0x64: {  	_ =	shalt  }
0x65: {  	_ =	shalt  }
0x66: {  	_ =	shalt  }
0x67: {  	_ =	shalt  }
0x68: {  	_ =	shalt  }
0x69: {  	_ =	shalt  }
0x6a: {  	_ =	shalt  }
0x6b: {  	_ =	shalt  }
0x6c: {  	_ =	shalt  }
0x6d: {  	_ =	shalt  }
0x6e: {  	_ =	shalt  }
0x6f: {  	_ =	shalt  }
0x70: {  	_ =	shalt  }
0x71: {  	_ =	shalt  }
0x72: {  	_ =	shalt  }
0x73: {  	_ =	shalt  }
0x74: {  	_ =	shalt  }
0x75: {  	_ =	shalt  }
0x76: {  	_ =	shalt  }
0x77: {  	_ =	shalt  }
0x78: {  	_ =	shalt  }
0x79: {  	_ =	shalt  }
0x7a: {  	_ =	shalt  }
0x7b: {  	_ =	shalt  }
0x7c: {  	_ =	shalt  }
0x7d: {  	_ =	shalt  }
0x7e: {  	_ =	shalt  }
0x7f: {  	_ =	shalt  }
0x80: {  	_ =	shalt  }
0x81: {  	_ =	shalt  }
0x82: {  	_ =	shalt  }
0x83: {  	_ =	shalt  }
0x84: {  	_ =	shalt  }
0x85: {  	_ =	shalt  }
0x86: {  	_ =	shalt  }
0x87: {  	_ =	shalt  }
.Lfunc_end0:
.L_simem_size_0:
called_computation_lowered:
.L_overlay_start_0:
0x88: {  	s2 =	sld [smem:$0x3FD9]  }
0x89: {  	s3 =	sld [smem:$0x3FFE];
	_ =	sdelay $0x1  }
0x8a: {  	s1 =	srdreg.scid  }
0x8b: {  	s0 =	sand.u32 $0x1, s1  }
0x8c: {  	s17 =	sshll.u32 s0, $0xA;
	s2 =	sadd.s32 s3, s2  }
0x8d: {  	s2 =	sadd.s32 s2, s17  }
0x8e: {  	[smem:$0x3FC2] =	sst s2  }
0x8f: {  	_ = 	snop  }
0x90: {  	s2 =	sld [smem:$0x3FD0];
	(tm) =	ssettm $0x1  }
0x91: {  	s18 =	sld [smem:$0x3FFB];
	_ =	sdelay $0x3  }
0x92: {  	_ =	strace s18  }
0x93: {  	s3 =	sld [smem:$0x3FFC];
	_ =	sdelay $0x3  }
0x94: {  	_ =	strace s3  }
0x95: {  	s3 =	sld [smem:$0x3FFD];
	_ =	sdelay $0x3  }
0x96: {  	_ =	strace s3  }
0x97: {  	_ =	strace $0x8FFFFFFF  }
0x98: {  	s19 =	sld [smem:$0x3FDB];
	_ =	sdelay $0x1  }
0x99: {  	s4 =	simm.s32 $_scs_section_size  }
0x9a: {  	s5 =	simm.s32 $_size__tile_overlayer_lowered;
	s6 =	simm.s32 $_tile_overlayer_lowered  }
0x9b: {  	s22 =	simm.s32 $0x1BFF;
	s21 =	sshll.u32 s6, $0x1;
	s3 =	sadd.s32 s4, s19  }
0x9c: {  	s7 =	simm.s32 $0x0;
	s20 =	sshll.u32 s5, $0x1;
	s5 =	sadd.s32 s21, s3  }
0x9d: {  	[timem:s7], [sflag:s22] =	dma.local [hbm:s5], s20  }
0x9e: {  	_ =	swait.ge [sflag:s22], s20  }
0x9f: {  	s4 =	ssub.s32 $0x0, s20;
	[sflag:s22] =	ssyncset.done $0x0  }
0xa0: {  	[sflag:s22] =	ssyncadd.s32 s4;
	_ =	sdelay $0x1  }
0xa1: {  	s23 =	simm.s32 $0x1B8B  }
0xa2: {  	_ =	swait.ge [sflag:s23], $0x1  }
0xa3: {  	[sflag:s23] =	ssyncset.done $0x0  }
0xa4: {  	s25 =	simm.s32 $0x1B8E;
	s24 =	sld [smem:$0x3FFE];
	[sflag:s23] =	ssyncadd.s32 $0xFFFFFFFF  }
0xa5: {  	s26 =	simm.s32 $execute0_lowered;
	[smem:$0x3FD2] =	sst s25  }
0xa6: {  	s5 =	sshll.u32 s26, $0x1;
	_ =	strace $0x80000046;
	[dreg:$0x1] =	wrdreg $0xFFFFFFFF  }
0xa7: {  	s28 =	simm.s32 $_size_execute0_lowered;
	s3 =	sadd.s32 s3, s5;
	[dreg:$0x0] =	wrdreg $0x0  }
0xa8: {  	s5 =	sshll.u32 s28, $0x1;
	[dreg:$0x2] =	wrdreg s3  }
0xa9: {  	[dreg:$0x3] =	wrdreg s5  }
0xaa: {  	[dreg:$0x4] =	wrdreg $0xC0  }
0xab: {  	_ =	task [dreg:s7], $0x5FFFF  }
0xac: {  	[dreg:$0x1] =	wrdreg $0xFFFFFFFF  }
0xad: {  	[dreg:$0x0] =	wrdreg $0x60  }
0xae: {  	[dreg:$0x2] =	wrdreg s2  }
0xaf: {  	[dreg:$0x3] =	wrdreg s24  }
0xb0: {  	[dreg:$0x4] =	wrdreg $0x2FD00  }
0xb1: {  	[dreg:$0x5] =	wrdreg $0x9  }
0xb2: {  	_ =	task.clear_ibuf [dreg:s7], $0x6FFFF;
	_ =	strace $0x90000046  }
0xb3: {  	s29 =	simm.s32 $0x9;
	_ =	strace $0x80000048  }
0xb4: {  	_ =	swait.ge [sflag:s29], $0x1  }
0xb5: {  	[sflag:s29] =	ssyncadd.s32 $0xFFFFFFFF  }
0xb6: {  	_ =	strace $0x90000048  }
0xb7: {  	_ =	sfence  }
0xb8: {  	s30 =	sld [smem:$0x0];
	_ =	sdelay $0x2  }
0xb9: {  	s31 =	sshll.u32 s1, $0xD;
	s1 =	sshrl.u32 s1, $0x2  }
0xba: {  	s3 =	sand.u32 $0x4000, s31;
	s1 =	sadd.s32 s1, s30  }
0xbb: {  	s0 =	sor.u32 s3, s0;
	s1 =	sshll.u32 s1, $0x11  }
0xbc: {  	s0 =	sor.u32 s1, s0  }
0xbd: {  	s0 =	sadd.s32 $0x8F2B, s0  }
0xbe: {  	[sflag:s0] =	ssyncadd.remote.s32 $0x1  }
0xbf: {  	_ =	sfence.sel $0xFFFF  }
0xc0: {  	[dreg:$0x0] =	wrdreg $0xFFFFFFFF;
	(pc) =	sbr.abs _section_cstart, $3  }
0xc1: {  	[dreg:$0x1] =	wrdreg $0xFFFFFFFF  }
0xc2: {  	_ =	task.clear_ibuf [dreg:s7], $0x2FFFF;
	_ =	strace $0x9FFFFFFF  }
0xc3: {  	(tm) =	ssettm $0x7FFFFFFF  }
tec
execute0_lowered:
.L_overlay_start_1:
0x0: {  	(tag) =	ssettag $0x1  }
0x1: {  	s5 =	rddreg [dreg:$0x0]  }
0x2: {  	s6 =	rddreg [dreg:$0x1]  }
0x3: {  	s2 =	rddreg [dreg:$0x2]  }
0x4: {  	s0 =	rddreg [dreg:$0x3];
	s1 =	stileid.u32  }
0x5: {  	s4 =	srdreg.scid;
	s7 =	smul.u32 $0x2710, s1  }
0x6: {  	s3 =	simm.s32 $0x0;
	s13 =	simm.s32 $0x7D;
	s11 =	smul.u32 $0x2800, s1  }
0x7: {  	s14 =	simm.s32 $0x1;
	s8 =	sand.u32 $0x1, s4;
	s28 =	smul.u32 $0x9C40, s1  }
0x8: {  	s15 =	simm.s32 $0x0;
	[smem:$0x7FF] =	sst s3;
	s4 =	smul.u32 $0x27100, s8  }
0x9: {  	s31 =	sshll.u32 s1, $0x6;
	s9 =	smul.u32 $0x28000, s8;
	s8 =	ssub.s32 $0x2, s8  }
0xa: {  	_ =	strace $0x80000047;
	s10 =	sshrl.u32 s7, $0x3;
	s29 =	sshrl.u32 s8, $0x1  }
0xb: {  	s30 =	sshrl.u32 s28, $0x2;
	s7 =	sadd.s32 s7, s4;
	s4 =	sadd.s32 $0x1A00, s6  }
0xc: {  	s10 =	sadd.s32 s10, s6;
	s9 =	sadd.s32 s11, s9;
	s8 =	ssub.s32 s8, s29  }
0xd: {  	s12 =	sadd.s32 s30, s2;
	s11 =	sor.u32 $0x1C02, s31;
	s7 =	sshrl.u32 s7, $0x3  }
0xe: {  	s9 =	sshrl.u32 s9, $0x3;
	s8 =	smax.u32 s8, $0x1;
	s12 =	sshrl.u32 s12, $0x3  }
0xf: {  	s7 =	sadd.s32 s7, s6;
	s5 =	sadd.s32 s5, s9;
	s6 =	sadd.s32 $0x1C00, s10  }
0x10: {  	s9 =	simm.s32 $0x2;
	s10 =	simm.s32 $0x2800;
	s7 =	sadd.s32 $0x6C00, s7  }
.LBB2_1:
0x11: {  	[tilespmem:s3], [sflag:$0x2] =	stream.linear.gather [hbm4b:s5+s3], $0x2800, $0x38;
	[tilespmem:$0x56E0] =	vst v63  }
0x12: {  	_ =	swait.ge [sflag:s9], $0x2800  }
0x13: {  	[sflag:s9] =	ssyncset.done $0x0  }
0x14: {  	[sflag:s9] =	ssyncadd.s32 $0xFFFFD800  }
0x15: {  	[tilespmem:s10], [sflag:$0x2] =	stream.linear.gather [hbm4b:s4+s3], $0x7D0, $0x38;
	[tilespmem:$0x56E0] =	vst v63  }
0x16: {  	_ =	swait.ge [sflag:s9], $0x7D0  }
0x17: {  	[sflag:s9] =	ssyncset.done $0x0  }
0x18: {  	[sflag:s9] =	ssyncadd.s32 $0xFFFFF830  }
0x19: {  	[spmem:s12], [sflag:s11] =	dma.local [hbm:s6], $0x4E2  }
0x1a: {  	_ =	swait.ge [sflag:s9], $0x4E2  }
0x1b: {  	[sflag:s9] =	ssyncset.done $0x0  }
0x1c: {  	[sflag:s9] =	ssyncadd.s32 $0xFFFFFB1E  }
0x1d: {  	s16 =	simm.s32 $0x0;
	[bflag:$0x0] =	sbarrier.arrive $0xFFFF  }
.LBB2_2:
0x1e: {  	p0 =	sne.s32 s16, $0x9E00  }
.Ltmp0:
0x1f: {  	_ = 	snop;
	(pc) =	sbr.rel @p0 .LBB2_2-.Ltmp0, $3  }
0x20: {  	_ =	sdelay $0x1  }
0x21: {  	s17 =	sshra.s32 s16, $0x2;
	s16 =	sadd.s32 $0x200, s16  }
0x22: {  	[spmem:s2] =	stream.indirect.scatter.add.f32 [tilespmem:s10], [sflag:$0x1], $0x10, s17, s13, $0xb8;
	[tilespmem:$0x56E0] =	vst v63  }
0x23: {  	_ =	swait.ge [sflag:s14], $0x7D0  }
0x24: {  	s16 =	simm.s32 $0x4F;
	[sflag:s14] =	ssyncset.done $0x0  }
.LBB2_4:
0x25: {  	p0 =	sne.s32 s16, $0x1;
	s16 =	sadd.s32 $0xFFFFFFFF, s16;
	[sflag:s14] =	ssyncadd.s32 $0xFFFFF830  }
.Ltmp1:
0x26: {  	(pc) =	sbr.rel @p0 .LBB2_4-.Ltmp1, $3  }
0x27: {  	_ =	sdelay $0x1  }
0x28: {  	_ =	swait.ge [sflag:s14], $0x7D0  }
0x29: {  	[sflag:s14] =	ssyncset.done $0x0  }
0x2a: {  	s15 =	sadd.s32 $0x1, s15  }
0x2b: {  	[sflag:s14] =	ssyncadd.s32 $0xFFFFF830;
	p0 =	sne.s32 s15, s8  }
.Ltmp2:
0x2c: {  	[bflag:$0x0] =	sbarrier.arrive $0xFFFF;
	(pc) =	sbr.rel @p0 .LBB2_1-.Ltmp2, $4  }
0x2d: {  	[hbm:s7], [sflag:s11] =	dma.local [spmem:s12], $0x4E2  }
0x2e: {  	_ =	swait.ge [sflag:s9], $0x4E2  }
0x2f: {  	[sflag:s9] =	ssyncset.done $0x0  }
0x30: {  	[sflag:s9] =	ssyncadd.s32 $0xFFFFFB1E  }
0x31: {  	_ =	sfence.sel $0x180000  }
0x32: {  	[bflag:$0x0] =	sbarrier.arrive $0xFFFF  }
0x33: {  	p0 =	sne.s32 s1, $0x0;
	_ =	strace $0x90000047  }
0x34: {  	s0 =	sadd.s32 @!p0 $0x100000, s0;
	[bflag:$0x2] =	sbarrier.arrive $0xFFFF  }
0x35: {  	[sflag:s0] =	ssyncadd.tile.s32 @!p0 $0x1;
	_ =	shalt  }
.Lfunc_end2:
_tile_overlayer_lowered:
.L_overlay_start_2:
0x36: {  	(tag) =	ssettag $0x2  }
0x37: {  	s0 =	rddreg [dreg:$0x0];
	s2 =	stileid.u32  }
0x38: {  	s1 =	rddreg [dreg:$0x1];
	p0 =	sne.s32 s2, $0x0  }
0x39: {  	s3 =	rddreg [dreg:$0x2];
	[bflag:$0x3] =	sbarrier.arrive $0xFFFF;
	s2 =	simm.s32 @!p0 $0x1C02  }
0x3a: {  	[timem:s3], [sflag:s2] =	dma.local @!p0 [hbm:s0], s1  }
0x3b: {  	s0 =	simm.s32 @!p0 $0x2  }
0x3c: {  	_ =	swait.ge @!p0 [sflag:s0], s1  }
0x3d: {  	s1 =	ssub.s32 @!p0 $0x0, s1;
	[sflag:s0] =	ssyncset.done @!p0 $0x0  }
0x3e: {  	[sflag:s0] =	ssyncadd.s32 @!p0 s1  }
0x3f: {  	[bflag:$0x3] =	sbarrier.arrive $0xFFFF  }
0x40: {  	_ =	shalt  }

</sc_bundles>
